<compile_context>
chip_gen: v7x
topology: tpu7x:2x2x1
jax: 0.10.2.dev20260603
libtpu: 0.0.44.dev20260713+nightly
codegen_flags: <defaults>
</compile_context>

<pallas_src>
import functools

import jax
import jax.numpy as jnp
from jax import lax
from jax.experimental import pallas as pl
from jax.experimental.pallas import tpu as pltpu
from jax.experimental.pallas import tpu_sc as plsc

_N = 10000
_E = 320000
_D = 128
_NPAD = 10240
_K = 128
_CHUNKS = 79
_EPT = _K * _CHUNKS
_NW = 32
_EPAD = _NW * _EPT
_RPT = _NPAD // 16
_BLK = 1024
_GRID = _NPAD // _BLK


def _sc_scatter_body(h_hbm, src_hbm, dst_hbm, out_p, out_h,
                     src_v, dst_v, rows_v, zbuf, hist_v, acc, sem):
    cid = lax.axis_index("c")
    sid = lax.axis_index("s")
    wid = cid * 16 + sid

    zero16 = jnp.zeros((16,), jnp.float32)

    def _zrow(i, c):
        for j in range(8):
            zbuf[i, pl.ds(j * 16, 16)] = zero16
        return c
    lax.fori_loop(0, 64, _zrow, 0)

    def _zh(i, c):
        hist_v[pl.ds(i * 16, 16)] = zero16
        return c
    lax.fori_loop(0, _NPAD // 16, _zh, 0)

    rbase = sid * _RPT
    for cc in range(_RPT // 64):
        pltpu.sync_copy(zbuf, acc.at[pl.ds(rbase + cc * 64, 64)])

    plsc.subcore_barrier()

    ones16 = jnp.ones((16,), jnp.float32)
    ebase = wid * _EPT

    def _chunk(c, carry):
        off = pl.multiple_of(ebase + c * _K, 8)
        pltpu.sync_copy(src_hbm.at[pl.ds(off, _K)], src_v)
        pltpu.sync_copy(dst_hbm.at[pl.ds(off, _K)], dst_v)
        pltpu.async_copy(h_hbm.at[src_v], rows_v, sem).wait()
        pltpu.sync_copy(rows_v, acc.at[dst_v], add=True)
        for j in range(8):
            d16 = dst_v[pl.ds(j * 16, 16)]
            plsc.addupdate_scatter(hist_v, [d16], ones16)
        return carry
    lax.fori_loop(0, _CHUNKS, _chunk, 0)

    plsc.subcore_barrier()

    for cc in range(_RPT // 64):
        pltpu.sync_copy(acc.at[pl.ds(rbase + cc * 64, 64)],
                        out_p.at[cid, pl.ds(rbase + cc * 64, 64)])
    pltpu.sync_copy(hist_v, out_h.at[wid])


_sc_scatter = pl.kernel(
    _sc_scatter_body,
    out_type=[jax.ShapeDtypeStruct((2, _NPAD, _D), jnp.float32),
              jax.ShapeDtypeStruct((_NW, _NPAD), jnp.float32)],
    mesh=plsc.VectorSubcoreMesh(core_axis_name="c", subcore_axis_name="s"),
    compiler_params=pltpu.CompilerParams(needs_layout_passes=False),
    scratch_types=[
        pltpu.VMEM((_K,), jnp.int32),
        pltpu.VMEM((_K,), jnp.int32),
        pltpu.VMEM((_K, _D), jnp.float32),
        pltpu.VMEM((64, _D), jnp.float32),
        pltpu.VMEM((_NPAD,), jnp.float32),
        pltpu.VMEM_SHARED((_NPAD, _D), jnp.float32),
        pltpu.SemaphoreType.DMA,
    ],
)


def _deg_from_hist(hist_blk):
    ones32 = jnp.ones((_NW, 1), jnp.float32)
    deg = lax.dot_general(hist_blk, ones32, (((0,), (0,)), ((), ())),
                          preferred_element_type=jnp.float32)
    return deg, jnp.maximum(deg, 1.0)


def _tc_hop_body(p_ref, hist_ref, h_ref, w_ref, o_ref):
    s = p_ref[0] + p_ref[1]
    deg, degc = _deg_from_hist(hist_ref[...])
    agg = (s - deg * h_ref[...]) / degc
    o_ref[...] = jnp.tanh(
        lax.dot_general(agg, w_ref[...], (((1,), (0,)), ((), ())),
                        preferred_element_type=jnp.float32))


def _tc_final_body(p_ref, hist_ref, x_ref, h1_ref, whop_ref,
                   wm1_ref, b1_ref, wm2_ref, b2_ref, o_ref):
    s = p_ref[0] + p_ref[1]
    deg, degc = _deg_from_hist(hist_ref[...])
    h1 = h1_ref[...]
    agg = (s - deg * h1) / degc
    h2 = jnp.tanh(
        lax.dot_general(agg, whop_ref[...], (((1,), (0,)), ((), ())),
                        preferred_element_type=jnp.float32))
    wm1 = wm1_ref[...]
    mm = functools.partial(lax.dot_general, dimension_numbers=(((1,), (0,)), ((), ())),
                           preferred_element_type=jnp.float32)
    pre = (mm(x_ref[...], wm1[0:_D]) + mm(h1, wm1[_D:2 * _D])
           + mm(h2, wm1[2 * _D:3 * _D]) + b1_ref[...])
    hm = jnp.tanh(pre)
    o_ref[...] = mm(hm, wm2_ref[...]) + b2_ref[...]


def _row_spec():
    return pl.BlockSpec((_BLK, _D), lambda i: (i, 0))


def _whole(shape):
    return pl.BlockSpec(shape, lambda i: tuple(0 for _ in shape))


_P_SPEC = pl.BlockSpec((2, _BLK, _D), lambda i: (0, i, 0))
_HIST_SPEC = pl.BlockSpec((_NW, _BLK), lambda i: (0, i))

_tc_hop = pl.pallas_call(
    _tc_hop_body,
    grid=(_GRID,),
    in_specs=[_P_SPEC, _HIST_SPEC, _row_spec(), _whole((_D, _D))],
    out_specs=_row_spec(),
    out_shape=jax.ShapeDtypeStruct((_NPAD, _D), jnp.float32),
)

_tc_final = pl.pallas_call(
    _tc_final_body,
    grid=(_GRID,),
    in_specs=[_P_SPEC, _HIST_SPEC, _row_spec(), _row_spec(),
              _whole((_D, _D)), _whole((3 * _D, _D)), _whole((1, _D)),
              _whole((_D, _D)), _whole((1, _D))],
    out_specs=_row_spec(),
    out_shape=jax.ShapeDtypeStruct((_NPAD, _D), jnp.float32),
)


def kernel(x, edge_index, W_hop0, W_hop1, W_mlp1, b_mlp1, W_mlp2, b_mlp2):
    ei = edge_index.astype(jnp.int32)
    pad = _EPAD - _E
    src = jnp.concatenate([ei[0], jnp.zeros((pad,), jnp.int32)])
    dst = jnp.concatenate([ei[1], jnp.full((pad,), _N, jnp.int32)])
    xp = jnp.concatenate([x, jnp.zeros((_NPAD - _N, _D), jnp.float32)])

    p1, hist = _sc_scatter(xp, src, dst)
    h1 = _tc_hop(p1, hist, xp, W_hop0)
    p2, _ = _sc_scatter(h1, src, dst)
    out = _tc_final(p2, hist, xp, h1, W_hop1, W_mlp1,
                    b_mlp1.reshape(1, _D), W_mlp2, b_mlp2.reshape(1, _D))
    return out[:_N]

# --- scband reference (transcript-rebuilt; emitter-appended) ---
"""Pipeline reference for scband-net-7610682049006 (READ-ONLY COPY).

The authoritative reference and input builder live on the scoring server;
editing this copy changes nothing except your own understanding.
"""

import jax, jax.numpy as jnp
import numpy as np

N_NODES = 10000
N_EDGES = 320000
D_FEAT = 128
HIDDEN = 128
OUT = 128
ORDER = 2

def setup_inputs(seed: int = 0) -> dict:
    key = jax.random.key(seed)
    k = jax.random.split(key, 10)
    x = jax.random.normal(k[0], (N_NODES, D_FEAT), dtype=jnp.float32)
    edge_index = jax.random.randint(k[1], (2, N_EDGES), 0, N_NODES, dtype=jnp.int64)
    s0 = 1.0 / np.sqrt(D_FEAT)
    W_hop0 = jax.random.normal(k[2], (D_FEAT, D_FEAT), dtype=jnp.float32) * s0
    W_hop1 = jax.random.normal(k[3], (D_FEAT, D_FEAT), dtype=jnp.float32) * s0
    mlp_in = (ORDER + 1) * D_FEAT
    W_mlp1 = jax.random.normal(k[4], (mlp_in, HIDDEN), dtype=jnp.float32) / np.sqrt(mlp_in)
    b_mlp1 = jnp.zeros((HIDDEN,), dtype=jnp.float32)
    W_mlp2 = jax.random.normal(k[5], (HIDDEN, OUT), dtype=jnp.float32) / np.sqrt(HIDDEN)
    b_mlp2 = jnp.zeros((OUT,), dtype=jnp.float32)
    return {"x": x, "edge_index": edge_index, "W_hop0": W_hop0, "W_hop1": W_hop1,
            "W_mlp1": W_mlp1, "b_mlp1": b_mlp1, "W_mlp2": W_mlp2, "b_mlp2": b_mlp2}

def reference(x, edge_index, W_hop0, W_hop1, W_mlp1, b_mlp1, W_mlp2, b_mlp2):
    # Faithful canonicalization of the anisotropic gradient message-passing net:
    # `order` hops of grad-layer message passing (difference messages, i.e. a
    # discrete gradient / kernel-weighted aggregation), collected per-hop into
    # `out`, concatenated, then passed through the MLP head.
    src = edge_index[0]
    dst = edge_index[1]
    n = x.shape[0]
    deg = jax.ops.segment_sum(jnp.ones((src.shape[0],), dtype=jnp.float32), dst, num_segments=n)
    deg = jnp.maximum(deg, 1.0)[:, None]
    out = [x]
    h = x
    for W in (W_hop0, W_hop1):
        msg = h[src] - h[dst]  # gradient operator on the graph
        agg = jax.ops.segment_sum(msg, dst, num_segments=n) / deg
        h = jnp.tanh(agg @ W)
        out.append(h)
    z = jnp.concatenate(out, axis=1)
    hm = jnp.tanh(z @ W_mlp1 + b_mlp1)
    return hm @ W_mlp2 + b_mlp2

if __name__ == "__main__":
    import jax
    _d = setup_inputs()
    print(jax.jit(kernel)(*tuple(_d.values())))

</pallas_src>

<mosaic_0001>
#map = affine_map<(d0, d1) -> (0, 0)>
#map1 = affine_map<(d0, d1) -> (0)>
#map2 = affine_map<(d0, d1) -> (0, 0, 0)>
module attributes {stable_mosaic.version = 14 : i64} {
  func.func @_sc_scatter_body(%arg0: i32, %arg1: i32, %arg2: memref<10240x128xf32, #tpu.memory_space<hbm>>, %arg3: memref<323584xi32, #tpu.memory_space<hbm>>, %arg4: memref<323584xi32, #tpu.memory_space<hbm>>, %arg5: memref<2x10240x128xf32, #tpu.memory_space<hbm>>, %arg6: memref<32x10240xf32, #tpu.memory_space<hbm>>, %arg7: memref<128xi32, #tpu.memory_space<vmem>>, %arg8: memref<128xi32, #tpu.memory_space<vmem>>, %arg9: memref<128x128xf32, #tpu.memory_space<vmem>>, %arg10: memref<64x128xf32, #tpu.memory_space<vmem>>, %arg11: memref<10240xf32, #tpu.memory_space<vmem>>, %arg12: memref<10240x128xf32, #tpu.memory_space<vmem_shared>>, %arg13: memref<!tpu.dma_semaphore, #tpu.memory_space<semaphore_mem>>) attributes {dimension_semantics = [#tpu.dimension_semantics<core_parallel>, #tpu.dimension_semantics<subcore_parallel>], iteration_bounds = array<i64: 2, 16>, scalar_prefetch = 0 : i64, scratch_operands = 7 : i64, tpu.core_type = #tpu.core_type<sc_vector_subcore>, window_params = [{transform_indices = #map}, {transform_indices = #map1}, {transform_indices = #map1}, {transform_indices = #map2}, {transform_indices = #map}]} {
    %mul3A = arith.constant 16 : i32
    %mul3A_0 = arith.muli %arg0, %mul3A : i32
    %add3A = arith.addi %mul3A_0, %arg1 : i32
    %broadcast_in_dim3A = arith.constant 0.000000e+00 : f32
    %broadcast_in_dim3A_1 = vector.broadcast %broadcast_in_dim3A : f32 to vector<16xf32>
    %scan3A = arith.constant 0 : i32
    %scan3A_2 = arith.constant 0 : i32
    %scan3A_3 = arith.constant 64 : i32
    %scan3A_4 = arith.addi %scan3A_2, %scan3A_3 : i32
    %scan3A_5 = arith.constant 1 : i32
    scf.for %scan3A_86 = %scan3A_2 to %scan3A_4 step %scan3A_5  : i32 {
      %swap3A = arith.index_cast %scan3A_86 : i32 to index
      %swap3A_87 = arith.constant 0 : index
      %swap3A_88 = tpu.vector_load %arg10[%swap3A, %swap3A_87] {strides = array<i32>} : memref<64x128xf32, #tpu.memory_space<vmem>>, vector<16xf32>,
      tpu.vector_store %arg10[%swap3A, %swap3A_87], %broadcast_in_dim3A_1 {strides = array<i32>} : memref<64x128xf32, #tpu.memory_space<vmem>>, vector<16xf32>,
      %swap3A_89 = arith.index_cast %scan3A_86 : i32 to index
      %swap3A_90 = arith.constant 16 : index
      %swap3A_91 = tpu.vector_load %arg10[%swap3A_89, %swap3A_90] {strides = array<i32>} : memref<64x128xf32, #tpu.memory_space<vmem>>, vector<16xf32>,
      tpu.vector_store %arg10[%swap3A_89, %swap3A_90], %broadcast_in_dim3A_1 {strides = array<i32>} : memref<64x128xf32, #tpu.memory_space<vmem>>, vector<16xf32>,
      %swap3A_92 = arith.index_cast %scan3A_86 : i32 to index
      %swap3A_93 = arith.constant 32 : index
      %swap3A_94 = tpu.vector_load %arg10[%swap3A_92, %swap3A_93] {strides = array<i32>} : memref<64x128xf32, #tpu.memory_space<vmem>>, vector<16xf32>,
      tpu.vector_store %arg10[%swap3A_92, %swap3A_93], %broadcast_in_dim3A_1 {strides = array<i32>} : memref<64x128xf32, #tpu.memory_space<vmem>>, vector<16xf32>,
      %swap3A_95 = arith.index_cast %scan3A_86 : i32 to index
      %swap3A_96 = arith.constant 48 : index
      %swap3A_97 = tpu.vector_load %arg10[%swap3A_95, %swap3A_96] {strides = array<i32>} : memref<64x128xf32, #tpu.memory_space<vmem>>, vector<16xf32>,
      tpu.vector_store %arg10[%swap3A_95, %swap3A_96], %broadcast_in_dim3A_1 {strides = array<i32>} : memref<64x128xf32, #tpu.memory_space<vmem>>, vector<16xf32>,
      %swap3A_98 = arith.index_cast %scan3A_86 : i32 to index
      %swap3A_99 = arith.constant 64 : index
      %swap3A_100 = tpu.vector_load %arg10[%swap3A_98, %swap3A_99] {strides = array<i32>} : memref<64x128xf32, #tpu.memory_space<vmem>>, vector<16xf32>,
      tpu.vector_store %arg10[%swap3A_98, %swap3A_99], %broadcast_in_dim3A_1 {strides = array<i32>} : memref<64x128xf32, #tpu.memory_space<vmem>>, vector<16xf32>,
      %swap3A_101 = arith.index_cast %scan3A_86 : i32 to index
      %swap3A_102 = arith.constant 80 : index
      %swap3A_103 = tpu.vector_load %arg10[%swap3A_101, %swap3A_102] {strides = array<i32>} : memref<64x128xf32, #tpu.memory_space<vmem>>, vector<16xf32>,
      tpu.vector_store %arg10[%swap3A_101, %swap3A_102], %broadcast_in_dim3A_1 {strides = array<i32>} : memref<64x128xf32, #tpu.memory_space<vmem>>, vector<16xf32>,
      %swap3A_104 = arith.index_cast %scan3A_86 : i32 to index
      %swap3A_105 = arith.constant 96 : index
      %swap3A_106 = tpu.vector_load %arg10[%swap3A_104, %swap3A_105] {strides = array<i32>} : memref<64x128xf32, #tpu.memory_space<vmem>>, vector<16xf32>,
      tpu.vector_store %arg10[%swap3A_104, %swap3A_105], %broadcast_in_dim3A_1 {strides = array<i32>} : memref<64x128xf32, #tpu.memory_space<vmem>>, vector<16xf32>,
      %swap3A_107 = arith.index_cast %scan3A_86 : i32 to index
      %swap3A_108 = arith.constant 112 : index
      %swap3A_109 = tpu.vector_load %arg10[%swap3A_107, %swap3A_108] {strides = array<i32>} : memref<64x128xf32, #tpu.memory_space<vmem>>, vector<16xf32>,
      tpu.vector_store %arg10[%swap3A_107, %swap3A_108], %broadcast_in_dim3A_1 {strides = array<i32>} : memref<64x128xf32, #tpu.memory_space<vmem>>, vector<16xf32>,
    }
    %scan3A_6 = arith.constant 64 : i32
    %scan3A_7 = arith.constant 0 : i32
    %scan3A_8 = arith.constant 0 : i32
    %scan3A_9 = arith.constant 640 : i32
    %scan3A_10 = arith.addi %scan3A_8, %scan3A_9 : i32
    %scan3A_11 = arith.constant 1 : i32
    scf.for %scan3A_86 = %scan3A_8 to %scan3A_10 step %scan3A_11  : i32 {
      %mul3A_87 = arith.constant 16 : i32
      %mul3A_88 = arith.muli %scan3A_86, %mul3A_87 : i32
      %swap3A = arith.index_cast %mul3A_88 : i32 to index
      %swap3A_89 = tpu.vector_load %arg11[%swap3A] {strides = array<i32>} : memref<10240xf32, #tpu.memory_space<vmem>>, vector<16xf32>,
      tpu.vector_store %arg11[%swap3A], %broadcast_in_dim3A_1 {strides = array<i32>} : memref<10240xf32, #tpu.memory_space<vmem>>, vector<16xf32>,
    }
    %scan3A_12 = arith.constant 640 : i32
    %mul3A_13 = arith.constant 640 : i32
    %mul3A_14 = arith.muli %arg1, %mul3A_13 : i32
    %add3A_15 = arith.constant 0 : i32
    %add3A_16 = arith.addi %mul3A_14, %add3A_15 : i32
    "tpu.region"() ({
      %run_scoped3A = tpu.sem_alloc : memref<!tpu.dma_semaphore, #tpu.memory_space<semaphore_mem>>
      %dma_start3A = arith.constant 0 : i32
      %dma_start3A_86 = tpu.memref_slice %arg12[%add3A_16, %dma_start3A] : memref<10240x128xf32, #tpu.memory_space<vmem_shared>> -> memref<64x128xf32, #tpu.memory_space<vmem_shared>>
      %dma_start3A_87 = arith.constant 0 : i32
      %dma_start3A_88 = tpu.memref_slice %arg12[%add3A_16, %dma_start3A_87] : memref<10240x128xf32, #tpu.memory_space<vmem_shared>> -> memref<64x128xf32, #tpu.memory_space<vmem_shared>>
      tpu.enqueue_dma source(%arg10 : memref<64x128xf32, #tpu.memory_space<vmem>>) target(%dma_start3A_88 : memref<64x128xf32, #tpu.memory_space<vmem_shared>>) target_semaphore(%run_scoped3A : memref<!tpu.dma_semaphore, #tpu.memory_space<semaphore_mem>>)
      %dma_wait3A = arith.constant 0 : i32
      %dma_wait3A_89 = tpu.memref_slice %arg12[%add3A_16, %dma_wait3A] : memref<10240x128xf32, #tpu.memory_space<vmem_shared>> -> memref<64x128xf32, #tpu.memory_space<vmem_shared>>
      %dma_wait3A_90 = arith.constant 0 : i32
      %dma_wait3A_91 = tpu.memref_slice %arg12[%add3A_16, %dma_wait3A_90] : memref<10240x128xf32, #tpu.memory_space<vmem_shared>> -> memref<64x128xf32, #tpu.memory_space<vmem_shared>>
      tpu.wait_dma2 semaphore(%run_scoped3A : memref<!tpu.dma_semaphore, #tpu.memory_space<semaphore_mem>>) src(%arg10 : memref<64x128xf32, #tpu.memory_space<vmem>>) dst(%dma_wait3A_91 : memref<64x128xf32, #tpu.memory_space<vmem_shared>>)
      tpu.yield
    }) : () -> ()
    %add3A_17 = arith.constant 64 : i32
    %add3A_18 = arith.addi %mul3A_14, %add3A_17 : i32
    "tpu.region"() ({
      %run_scoped3A = tpu.sem_alloc : memref<!tpu.dma_semaphore, #tpu.memory_space<semaphore_mem>>
      %dma_start3A = arith.constant 0 : i32
      %dma_start3A_86 = tpu.memref_slice %arg12[%add3A_18, %dma_start3A] : memref<10240x128xf32, #tpu.memory_space<vmem_shared>> -> memref<64x128xf32, #tpu.memory_space<vmem_shared>>
      %dma_start3A_87 = arith.constant 0 : i32
      %dma_start3A_88 = tpu.memref_slice %arg12[%add3A_18, %dma_start3A_87] : memref<10240x128xf32, #tpu.memory_space<vmem_shared>> -> memref<64x128xf32, #tpu.memory_space<vmem_shared>>
      tpu.enqueue_dma source(%arg10 : memref<64x128xf32, #tpu.memory_space<vmem>>) target(%dma_start3A_88 : memref<64x128xf32, #tpu.memory_space<vmem_shared>>) target_semaphore(%run_scoped3A : memref<!tpu.dma_semaphore, #tpu.memory_space<semaphore_mem>>)
      %dma_wait3A = arith.constant 0 : i32
      %dma_wait3A_89 = tpu.memref_slice %arg12[%add3A_18, %dma_wait3A] : memref<10240x128xf32, #tpu.memory_space<vmem_shared>> -> memref<64x128xf32, #tpu.memory_space<vmem_shared>>
      %dma_wait3A_90 = arith.constant 0 : i32
      %dma_wait3A_91 = tpu.memref_slice %arg12[%add3A_18, %dma_wait3A_90] : memref<10240x128xf32, #tpu.memory_space<vmem_shared>> -> memref<64x128xf32, #tpu.memory_space<vmem_shared>>
      tpu.wait_dma2 semaphore(%run_scoped3A : memref<!tpu.dma_semaphore, #tpu.memory_space<semaphore_mem>>) src(%arg10 : memref<64x128xf32, #tpu.memory_space<vmem>>) dst(%dma_wait3A_91 : memref<64x128xf32, #tpu.memory_space<vmem_shared>>)
      tpu.yield
    }) : () -> ()
    %add3A_19 = arith.constant 128 : i32
    %add3A_20 = arith.addi %mul3A_14, %add3A_19 : i32
    "tpu.region"() ({
      %run_scoped3A = tpu.sem_alloc : memref<!tpu.dma_semaphore, #tpu.memory_space<semaphore_mem>>
      %dma_start3A = arith.constant 0 : i32
      %dma_start3A_86 = tpu.memref_slice %arg12[%add3A_20, %dma_start3A] : memref<10240x128xf32, #tpu.memory_space<vmem_shared>> -> memref<64x128xf32, #tpu.memory_space<vmem_shared>>
      %dma_start3A_87 = arith.constant 0 : i32
      %dma_start3A_88 = tpu.memref_slice %arg12[%add3A_20, %dma_start3A_87] : memref<10240x128xf32, #tpu.memory_space<vmem_shared>> -> memref<64x128xf32, #tpu.memory_space<vmem_shared>>
      tpu.enqueue_dma source(%arg10 : memref<64x128xf32, #tpu.memory_space<vmem>>) target(%dma_start3A_88 : memref<64x128xf32, #tpu.memory_space<vmem_shared>>) target_semaphore(%run_scoped3A : memref<!tpu.dma_semaphore, #tpu.memory_space<semaphore_mem>>)
      %dma_wait3A = arith.constant 0 : i32
      %dma_wait3A_89 = tpu.memref_slice %arg12[%add3A_20, %dma_wait3A] : memref<10240x128xf32, #tpu.memory_space<vmem_shared>> -> memref<64x128xf32, #tpu.memory_space<vmem_shared>>
      %dma_wait3A_90 = arith.constant 0 : i32
      %dma_wait3A_91 = tpu.memref_slice %arg12[%add3A_20, %dma_wait3A_90] : memref<10240x128xf32, #tpu.memory_space<vmem_shared>> -> memref<64x128xf32, #tpu.memory_space<vmem_shared>>
      tpu.wait_dma2 semaphore(%run_scoped3A : memref<!tpu.dma_semaphore, #tpu.memory_space<semaphore_mem>>) src(%arg10 : memref<64x128xf32, #tpu.memory_space<vmem>>) dst(%dma_wait3A_91 : memref<64x128xf32, #tpu.memory_space<vmem_shared>>)
      tpu.yield
    }) : () -> ()
    %add3A_21 = arith.constant 192 : i32
    %add3A_22 = arith.addi %mul3A_14, %add3A_21 : i32
    "tpu.region"() ({
      %run_scoped3A = tpu.sem_alloc : memref<!tpu.dma_semaphore, #tpu.memory_space<semaphore_mem>>
      %dma_start3A = arith.constant 0 : i32
      %dma_start3A_86 = tpu.memref_slice %arg12[%add3A_22, %dma_start3A] : memref<10240x128xf32, #tpu.memory_space<vmem_shared>> -> memref<64x128xf32, #tpu.memory_space<vmem_shared>>
      %dma_start3A_87 = arith.constant 0 : i32
      %dma_start3A_88 = tpu.memref_slice %arg12[%add3A_22, %dma_start3A_87] : memref<10240x128xf32, #tpu.memory_space<vmem_shared>> -> memref<64x128xf32, #tpu.memory_space<vmem_shared>>
      tpu.enqueue_dma source(%arg10 : memref<64x128xf32, #tpu.memory_space<vmem>>) target(%dma_start3A_88 : memref<64x128xf32, #tpu.memory_space<vmem_shared>>) target_semaphore(%run_scoped3A : memref<!tpu.dma_semaphore, #tpu.memory_space<semaphore_mem>>)
      %dma_wait3A = arith.constant 0 : i32
      %dma_wait3A_89 = tpu.memref_slice %arg12[%add3A_22, %dma_wait3A] : memref<10240x128xf32, #tpu.memory_space<vmem_shared>> -> memref<64x128xf32, #tpu.memory_space<vmem_shared>>
      %dma_wait3A_90 = arith.constant 0 : i32
      %dma_wait3A_91 = tpu.memref_slice %arg12[%add3A_22, %dma_wait3A_90] : memref<10240x128xf32, #tpu.memory_space<vmem_shared>> -> memref<64x128xf32, #tpu.memory_space<vmem_shared>>
      tpu.wait_dma2 semaphore(%run_scoped3A : memref<!tpu.dma_semaphore, #tpu.memory_space<semaphore_mem>>) src(%arg10 : memref<64x128xf32, #tpu.memory_space<vmem>>) dst(%dma_wait3A_91 : memref<64x128xf32, #tpu.memory_space<vmem_shared>>)
      tpu.yield
    }) : () -> ()
    %add3A_23 = arith.constant 256 : i32
    %add3A_24 = arith.addi %mul3A_14, %add3A_23 : i32
    "tpu.region"() ({
      %run_scoped3A = tpu.sem_alloc : memref<!tpu.dma_semaphore, #tpu.memory_space<semaphore_mem>>
      %dma_start3A = arith.constant 0 : i32
      %dma_start3A_86 = tpu.memref_slice %arg12[%add3A_24, %dma_start3A] : memref<10240x128xf32, #tpu.memory_space<vmem_shared>> -> memref<64x128xf32, #tpu.memory_space<vmem_shared>>
      %dma_start3A_87 = arith.constant 0 : i32
      %dma_start3A_88 = tpu.memref_slice %arg12[%add3A_24, %dma_start3A_87] : memref<10240x128xf32, #tpu.memory_space<vmem_shared>> -> memref<64x128xf32, #tpu.memory_space<vmem_shared>>
      tpu.enqueue_dma source(%arg10 : memref<64x128xf32, #tpu.memory_space<vmem>>) target(%dma_start3A_88 : memref<64x128xf32, #tpu.memory_space<vmem_shared>>) target_semaphore(%run_scoped3A : memref<!tpu.dma_semaphore, #tpu.memory_space<semaphore_mem>>)
      %dma_wait3A = arith.constant 0 : i32
      %dma_wait3A_89 = tpu.memref_slice %arg12[%add3A_24, %dma_wait3A] : memref<10240x128xf32, #tpu.memory_space<vmem_shared>> -> memref<64x128xf32, #tpu.memory_space<vmem_shared>>
      %dma_wait3A_90 = arith.constant 0 : i32
      %dma_wait3A_91 = tpu.memref_slice %arg12[%add3A_24, %dma_wait3A_90] : memref<10240x128xf32, #tpu.memory_space<vmem_shared>> -> memref<64x128xf32, #tpu.memory_space<vmem_shared>>
      tpu.wait_dma2 semaphore(%run_scoped3A : memref<!tpu.dma_semaphore, #tpu.memory_space<semaphore_mem>>) src(%arg10 : memref<64x128xf32, #tpu.memory_space<vmem>>) dst(%dma_wait3A_91 : memref<64x128xf32, #tpu.memory_space<vmem_shared>>)
      tpu.yield
    }) : () -> ()
    %add3A_25 = arith.constant 320 : i32
    %add3A_26 = arith.addi %mul3A_14, %add3A_25 : i32
    "tpu.region"() ({
      %run_scoped3A = tpu.sem_alloc : memref<!tpu.dma_semaphore, #tpu.memory_space<semaphore_mem>>
      %dma_start3A = arith.constant 0 : i32
      %dma_start3A_86 = tpu.memref_slice %arg12[%add3A_26, %dma_start3A] : memref<10240x128xf32, #tpu.memory_space<vmem_shared>> -> memref<64x128xf32, #tpu.memory_space<vmem_shared>>
      %dma_start3A_87 = arith.constant 0 : i32
      %dma_start3A_88 = tpu.memref_slice %arg12[%add3A_26, %dma_start3A_87] : memref<10240x128xf32, #tpu.memory_space<vmem_shared>> -> memref<64x128xf32, #tpu.memory_space<vmem_shared>>
      tpu.enqueue_dma source(%arg10 : memref<64x128xf32, #tpu.memory_space<vmem>>) target(%dma_start3A_88 : memref<64x128xf32, #tpu.memory_space<vmem_shared>>) target_semaphore(%run_scoped3A : memref<!tpu.dma_semaphore, #tpu.memory_space<semaphore_mem>>)
      %dma_wait3A = arith.constant 0 : i32
      %dma_wait3A_89 = tpu.memref_slice %arg12[%add3A_26, %dma_wait3A] : memref<10240x128xf32, #tpu.memory_space<vmem_shared>> -> memref<64x128xf32, #tpu.memory_space<vmem_shared>>
      %dma_wait3A_90 = arith.constant 0 : i32
      %dma_wait3A_91 = tpu.memref_slice %arg12[%add3A_26, %dma_wait3A_90] : memref<10240x128xf32, #tpu.memory_space<vmem_shared>> -> memref<64x128xf32, #tpu.memory_space<vmem_shared>>
      tpu.wait_dma2 semaphore(%run_scoped3A : memref<!tpu.dma_semaphore, #tpu.memory_space<semaphore_mem>>) src(%arg10 : memref<64x128xf32, #tpu.memory_space<vmem>>) dst(%dma_wait3A_91 : memref<64x128xf32, #tpu.memory_space<vmem_shared>>)
      tpu.yield
    }) : () -> ()
    %add3A_27 = arith.constant 384 : i32
    %add3A_28 = arith.addi %mul3A_14, %add3A_27 : i32
    "tpu.region"() ({
      %run_scoped3A = tpu.sem_alloc : memref<!tpu.dma_semaphore, #tpu.memory_space<semaphore_mem>>
      %dma_start3A = arith.constant 0 : i32
      %dma_start3A_86 = tpu.memref_slice %arg12[%add3A_28, %dma_start3A] : memref<10240x128xf32, #tpu.memory_space<vmem_shared>> -> memref<64x128xf32, #tpu.memory_space<vmem_shared>>
      %dma_start3A_87 = arith.constant 0 : i32
      %dma_start3A_88 = tpu.memref_slice %arg12[%add3A_28, %dma_start3A_87] : memref<10240x128xf32, #tpu.memory_space<vmem_shared>> -> memref<64x128xf32, #tpu.memory_space<vmem_shared>>
      tpu.enqueue_dma source(%arg10 : memref<64x128xf32, #tpu.memory_space<vmem>>) target(%dma_start3A_88 : memref<64x128xf32, #tpu.memory_space<vmem_shared>>) target_semaphore(%run_scoped3A : memref<!tpu.dma_semaphore, #tpu.memory_space<semaphore_mem>>)
      %dma_wait3A = arith.constant 0 : i32
      %dma_wait3A_89 = tpu.memref_slice %arg12[%add3A_28, %dma_wait3A] : memref<10240x128xf32, #tpu.memory_space<vmem_shared>> -> memref<64x128xf32, #tpu.memory_space<vmem_shared>>
      %dma_wait3A_90 = arith.constant 0 : i32
      %dma_wait3A_91 = tpu.memref_slice %arg12[%add3A_28, %dma_wait3A_90] : memref<10240x128xf32, #tpu.memory_space<vmem_shared>> -> memref<64x128xf32, #tpu.memory_space<vmem_shared>>
      tpu.wait_dma2 semaphore(%run_scoped3A : memref<!tpu.dma_semaphore, #tpu.memory_space<semaphore_mem>>) src(%arg10 : memref<64x128xf32, #tpu.memory_space<vmem>>) dst(%dma_wait3A_91 : memref<64x128xf32, #tpu.memory_space<vmem_shared>>)
      tpu.yield
    }) : () -> ()
    %add3A_29 = arith.constant 448 : i32
    %add3A_30 = arith.addi %mul3A_14, %add3A_29 : i32
    "tpu.region"() ({
      %run_scoped3A = tpu.sem_alloc : memref<!tpu.dma_semaphore, #tpu.memory_space<semaphore_mem>>
      %dma_start3A = arith.constant 0 : i32
      %dma_start3A_86 = tpu.memref_slice %arg12[%add3A_30, %dma_start3A] : memref<10240x128xf32, #tpu.memory_space<vmem_shared>> -> memref<64x128xf32, #tpu.memory_space<vmem_shared>>
      %dma_start3A_87 = arith.constant 0 : i32
      %dma_start3A_88 = tpu.memref_slice %arg12[%add3A_30, %dma_start3A_87] : memref<10240x128xf32, #tpu.memory_space<vmem_shared>> -> memref<64x128xf32, #tpu.memory_space<vmem_shared>>
      tpu.enqueue_dma source(%arg10 : memref<64x128xf32, #tpu.memory_space<vmem>>) target(%dma_start3A_88 : memref<64x128xf32, #tpu.memory_space<vmem_shared>>) target_semaphore(%run_scoped3A : memref<!tpu.dma_semaphore, #tpu.memory_space<semaphore_mem>>)
      %dma_wait3A = arith.constant 0 : i32
      %dma_wait3A_89 = tpu.memref_slice %arg12[%add3A_30, %dma_wait3A] : memref<10240x128xf32, #tpu.memory_space<vmem_shared>> -> memref<64x128xf32, #tpu.memory_space<vmem_shared>>
      %dma_wait3A_90 = arith.constant 0 : i32
      %dma_wait3A_91 = tpu.memref_slice %arg12[%add3A_30, %dma_wait3A_90] : memref<10240x128xf32, #tpu.memory_space<vmem_shared>> -> memref<64x128xf32, #tpu.memory_space<vmem_shared>>
      tpu.wait_dma2 semaphore(%run_scoped3A : memref<!tpu.dma_semaphore, #tpu.memory_space<semaphore_mem>>) src(%arg10 : memref<64x128xf32, #tpu.memory_space<vmem>>) dst(%dma_wait3A_91 : memref<64x128xf32, #tpu.memory_space<vmem_shared>>)
      tpu.yield
    }) : () -> ()
    %add3A_31 = arith.constant 512 : i32
    %add3A_32 = arith.addi %mul3A_14, %add3A_31 : i32
    "tpu.region"() ({
      %run_scoped3A = tpu.sem_alloc : memref<!tpu.dma_semaphore, #tpu.memory_space<semaphore_mem>>
      %dma_start3A = arith.constant 0 : i32
      %dma_start3A_86 = tpu.memref_slice %arg12[%add3A_32, %dma_start3A] : memref<10240x128xf32, #tpu.memory_space<vmem_shared>> -> memref<64x128xf32, #tpu.memory_space<vmem_shared>>
      %dma_start3A_87 = arith.constant 0 : i32
      %dma_start3A_88 = tpu.memref_slice %arg12[%add3A_32, %dma_start3A_87] : memref<10240x128xf32, #tpu.memory_space<vmem_shared>> -> memref<64x128xf32, #tpu.memory_space<vmem_shared>>
      tpu.enqueue_dma source(%arg10 : memref<64x128xf32, #tpu.memory_space<vmem>>) target(%dma_start3A_88 : memref<64x128xf32, #tpu.memory_space<vmem_shared>>) target_semaphore(%run_scoped3A : memref<!tpu.dma_semaphore, #tpu.memory_space<semaphore_mem>>)
      %dma_wait3A = arith.constant 0 : i32
      %dma_wait3A_89 = tpu.memref_slice %arg12[%add3A_32, %dma_wait3A] : memref<10240x128xf32, #tpu.memory_space<vmem_shared>> -> memref<64x128xf32, #tpu.memory_space<vmem_shared>>
      %dma_wait3A_90 = arith.constant 0 : i32
      %dma_wait3A_91 = tpu.memref_slice %arg12[%add3A_32, %dma_wait3A_90] : memref<10240x128xf32, #tpu.memory_space<vmem_shared>> -> memref<64x128xf32, #tpu.memory_space<vmem_shared>>
      tpu.wait_dma2 semaphore(%run_scoped3A : memref<!tpu.dma_semaphore, #tpu.memory_space<semaphore_mem>>) src(%arg10 : memref<64x128xf32, #tpu.memory_space<vmem>>) dst(%dma_wait3A_91 : memref<64x128xf32, #tpu.memory_space<vmem_shared>>)
      tpu.yield
    }) : () -> ()
    %add3A_33 = arith.constant 576 : i32
    %add3A_34 = arith.addi %mul3A_14, %add3A_33 : i32
    "tpu.region"() ({
      %run_scoped3A = tpu.sem_alloc : memref<!tpu.dma_semaphore, #tpu.memory_space<semaphore_mem>>
      %dma_start3A = arith.constant 0 : i32
      %dma_start3A_86 = tpu.memref_slice %arg12[%add3A_34, %dma_start3A] : memref<10240x128xf32, #tpu.memory_space<vmem_shared>> -> memref<64x128xf32, #tpu.memory_space<vmem_shared>>
      %dma_start3A_87 = arith.constant 0 : i32
      %dma_start3A_88 = tpu.memref_slice %arg12[%add3A_34, %dma_start3A_87] : memref<10240x128xf32, #tpu.memory_space<vmem_shared>> -> memref<64x128xf32, #tpu.memory_space<vmem_shared>>
      tpu.enqueue_dma source(%arg10 : memref<64x128xf32, #tpu.memory_space<vmem>>) target(%dma_start3A_88 : memref<64x128xf32, #tpu.memory_space<vmem_shared>>) target_semaphore(%run_scoped3A : memref<!tpu.dma_semaphore, #tpu.memory_space<semaphore_mem>>)
      %dma_wait3A = arith.constant 0 : i32
      %dma_wait3A_89 = tpu.memref_slice %arg12[%add3A_34, %dma_wait3A] : memref<10240x128xf32, #tpu.memory_space<vmem_shared>> -> memref<64x128xf32, #tpu.memory_space<vmem_shared>>
      %dma_wait3A_90 = arith.constant 0 : i32
      %dma_wait3A_91 = tpu.memref_slice %arg12[%add3A_34, %dma_wait3A_90] : memref<10240x128xf32, #tpu.memory_space<vmem_shared>> -> memref<64x128xf32, #tpu.memory_space<vmem_shared>>
      tpu.wait_dma2 semaphore(%run_scoped3A : memref<!tpu.dma_semaphore, #tpu.memory_space<semaphore_mem>>) src(%arg10 : memref<64x128xf32, #tpu.memory_space<vmem>>) dst(%dma_wait3A_91 : memref<64x128xf32, #tpu.memory_space<vmem_shared>>)
      tpu.yield
    }) : () -> ()
    %barrier3A = arith.constant 0 : index
    tpu.barrier barrier_id(%barrier3A)
    %broadcast_in_dim3A_35 = arith.constant 1.000000e+00 : f32
    %broadcast_in_dim3A_36 = vector.broadcast %broadcast_in_dim3A_35 : f32 to vector<16xf32>
    %mul3A_37 = arith.constant 10112 : i32
    %mul3A_38 = arith.muli %add3A, %mul3A_37 : i32
    %scan3A_39 = arith.constant 0 : i32
    %scan3A_40 = arith.constant 0 : i32
    %scan3A_41 = arith.constant 79 : i32
    %scan3A_42 = arith.addi %scan3A_40, %scan3A_41 : i32
    %scan3A_43 = arith.constant 1 : i32
    scf.for %scan3A_86 = %scan3A_40 to %scan3A_42 step %scan3A_43  : i32 {
      %mul3A_87 = arith.constant 128 : i32
      %mul3A_88 = arith.muli %scan3A_86, %mul3A_87 : i32
      %add3A_89 = arith.addi %mul3A_38, %mul3A_88 : i32
      %multiple_of3A = tpu.assume_multiple %add3A_89, 8 : i32
      "tpu.region"() ({
        %run_scoped3A = tpu.sem_alloc : memref<!tpu.dma_semaphore, #tpu.memory_space<semaphore_mem>>
        %dma_start3A_109 = tpu.memref_slice %arg3[%multiple_of3A] : memref<323584xi32, #tpu.memory_space<hbm>> -> memref<128xi32, #tpu.memory_space<hbm>>
        %dma_start3A_110 = tpu.memref_slice %arg3[%multiple_of3A] : memref<323584xi32, #tpu.memory_space<hbm>> -> memref<128xi32, #tpu.memory_space<hbm>>
        tpu.enqueue_dma source(%dma_start3A_110 : memref<128xi32, #tpu.memory_space<hbm>>) target(%arg7 : memref<128xi32, #tpu.memory_space<vmem>>) target_semaphore(%run_scoped3A : memref<!tpu.dma_semaphore, #tpu.memory_space<semaphore_mem>>)
        %dma_wait3A_111 = tpu.memref_slice %arg3[%multiple_of3A] : memref<323584xi32, #tpu.memory_space<hbm>> -> memref<128xi32, #tpu.memory_space<hbm>>
        %dma_wait3A_112 = tpu.memref_slice %arg3[%multiple_of3A] : memref<323584xi32, #tpu.memory_space<hbm>> -> memref<128xi32, #tpu.memory_space<hbm>>
        tpu.wait_dma2 semaphore(%run_scoped3A : memref<!tpu.dma_semaphore, #tpu.memory_space<semaphore_mem>>) src(%dma_wait3A_112 : memref<128xi32, #tpu.memory_space<hbm>>) dst(%arg7 : memref<128xi32, #tpu.memory_space<vmem>>)
        tpu.yield
      }) : () -> ()
      "tpu.region"() ({
        %run_scoped3A = tpu.sem_alloc : memref<!tpu.dma_semaphore, #tpu.memory_space<semaphore_mem>>
        %dma_start3A_109 = tpu.memref_slice %arg4[%multiple_of3A] : memref<323584xi32, #tpu.memory_space<hbm>> -> memref<128xi32, #tpu.memory_space<hbm>>
        %dma_start3A_110 = tpu.memref_slice %arg4[%multiple_of3A] : memref<323584xi32, #tpu.memory_space<hbm>> -> memref<128xi32, #tpu.memory_space<hbm>>
        tpu.enqueue_dma source(%dma_start3A_110 : memref<128xi32, #tpu.memory_space<hbm>>) target(%arg8 : memref<128xi32, #tpu.memory_space<vmem>>) target_semaphore(%run_scoped3A : memref<!tpu.dma_semaphore, #tpu.memory_space<semaphore_mem>>)
        %dma_wait3A_111 = tpu.memref_slice %arg4[%multiple_of3A] : memref<323584xi32, #tpu.memory_space<hbm>> -> memref<128xi32, #tpu.memory_space<hbm>>
        %dma_wait3A_112 = tpu.memref_slice %arg4[%multiple_of3A] : memref<323584xi32, #tpu.memory_space<hbm>> -> memref<128xi32, #tpu.memory_space<hbm>>
        tpu.wait_dma2 semaphore(%run_scoped3A : memref<!tpu.dma_semaphore, #tpu.memory_space<semaphore_mem>>) src(%dma_wait3A_112 : memref<128xi32, #tpu.memory_space<hbm>>) dst(%arg8 : memref<128xi32, #tpu.memory_space<vmem>>)
        tpu.yield
      }) : () -> ()
      %dma_start3A = arith.constant 0 : i32
      %dma_start3A_90 = arith.constant 0 : i32
      %dma_start3A_91 = tpu.memref_slice %arg2[%dma_start3A, %dma_start3A_90] : memref<10240x128xf32, #tpu.memory_space<hbm>> -> memref<10240x128xf32, #tpu.memory_space<hbm>>
      tpu.enqueue_indirect_dma source(%dma_start3A_91 : memref<10240x128xf32, #tpu.memory_space<hbm>>) target(%arg9 : memref<128x128xf32, #tpu.memory_space<vmem>>) offsets(%arg7 : memref<128xi32, #tpu.memory_space<vmem>>) semaphore(%arg13 : memref<!tpu.dma_semaphore, #tpu.memory_space<semaphore_mem>>)
      %dma_wait3A = arith.constant 0 : i32
      %dma_wait3A_92 = arith.constant 0 : i32
      %dma_wait3A_93 = tpu.memref_slice %arg2[%dma_wait3A, %dma_wait3A_92] : memref<10240x128xf32, #tpu.memory_space<hbm>> -> memref<10240x128xf32, #tpu.memory_space<hbm>>
      tpu.wait_indirect_dma semaphore(%arg13 : memref<!tpu.dma_semaphore, #tpu.memory_space<semaphore_mem>>) src(%dma_wait3A_93 : memref<10240x128xf32, #tpu.memory_space<hbm>>) dst(%arg9 : memref<128x128xf32, #tpu.memory_space<vmem>>)
      "tpu.region"() ({
        %run_scoped3A = tpu.sem_alloc : memref<!tpu.dma_semaphore, #tpu.memory_space<semaphore_mem>>
        %dma_start3A_109 = arith.constant 0 : i32
        %dma_start3A_110 = arith.constant 0 : i32
        %dma_start3A_111 = tpu.memref_slice %arg12[%dma_start3A_109, %dma_start3A_110] : memref<10240x128xf32, #tpu.memory_space<vmem_shared>> -> memref<10240x128xf32, #tpu.memory_space<vmem_shared>>
        tpu.enqueue_indirect_dma source(%arg9 : memref<128x128xf32, #tpu.memory_space<vmem>>) target(%dma_start3A_111 : memref<10240x128xf32, #tpu.memory_space<vmem_shared>>) offsets(%arg8 : memref<128xi32, #tpu.memory_space<vmem>>) semaphore(%run_scoped3A : memref<!tpu.dma_semaphore, #tpu.memory_space<semaphore_mem>>) {add = true}
        %dma_wait3A_112 = arith.constant 0 : i32
        %dma_wait3A_113 = arith.constant 0 : i32
        %dma_wait3A_114 = tpu.memref_slice %arg12[%dma_wait3A_112, %dma_wait3A_113] : memref<10240x128xf32, #tpu.memory_space<vmem_shared>> -> memref<10240x128xf32, #tpu.memory_space<vmem_shared>>
        tpu.wait_indirect_dma semaphore(%run_scoped3A : memref<!tpu.dma_semaphore, #tpu.memory_space<semaphore_mem>>) src(%arg9 : memref<128x128xf32, #tpu.memory_space<vmem>>) dst(%dma_wait3A_114 : memref<10240x128xf32, #tpu.memory_space<vmem_shared>>)
        tpu.yield
      }) : () -> ()
      %get3A = arith.constant 0 : index
      %get3A_94 = tpu.vector_load %arg8[%get3A] {strides = array<i32>} : memref<128xi32, #tpu.memory_space<vmem>>, vector<16xi32>,
      tpu.vector_store_idx %arg11[%get3A_94], %broadcast_in_dim3A_36 {add = true} : memref<10240xf32, #tpu.memory_space<vmem>>[vector<16xi32>], vector<16xf32>,
      %get3A_95 = arith.constant 16 : index
      %get3A_96 = tpu.vector_load %arg8[%get3A_95] {strides = array<i32>} : memref<128xi32, #tpu.memory_space<vmem>>, vector<16xi32>,
      tpu.vector_store_idx %arg11[%get3A_96], %broadcast_in_dim3A_36 {add = true} : memref<10240xf32, #tpu.memory_space<vmem>>[vector<16xi32>], vector<16xf32>,
      %get3A_97 = arith.constant 32 : index
      %get3A_98 = tpu.vector_load %arg8[%get3A_97] {strides = array<i32>} : memref<128xi32, #tpu.memory_space<vmem>>, vector<16xi32>,
      tpu.vector_store_idx %arg11[%get3A_98], %broadcast_in_dim3A_36 {add = true} : memref<10240xf32, #tpu.memory_space<vmem>>[vector<16xi32>], vector<16xf32>,
      %get3A_99 = arith.constant 48 : index
      %get3A_100 = tpu.vector_load %arg8[%get3A_99] {strides = array<i32>} : memref<128xi32, #tpu.memory_space<vmem>>, vector<16xi32>,
      tpu.vector_store_idx %arg11[%get3A_100], %broadcast_in_dim3A_36 {add = true} : memref<10240xf32, #tpu.memory_space<vmem>>[vector<16xi32>], vector<16xf32>,
      %get3A_101 = arith.constant 64 : index
      %get3A_102 = tpu.vector_load %arg8[%get3A_101] {strides = array<i32>} : memref<128xi32, #tpu.memory_space<vmem>>, vector<16xi32>,
      tpu.vector_store_idx %arg11[%get3A_102], %broadcast_in_dim3A_36 {add = true} : memref<10240xf32, #tpu.memory_space<vmem>>[vector<16xi32>], vector<16xf32>,
      %get3A_103 = arith.constant 80 : index
      %get3A_104 = tpu.vector_load %arg8[%get3A_103] {strides = array<i32>} : memref<128xi32, #tpu.memory_space<vmem>>, vector<16xi32>,
      tpu.vector_store_idx %arg11[%get3A_104], %broadcast_in_dim3A_36 {add = true} : memref<10240xf32, #tpu.memory_space<vmem>>[vector<16xi32>], vector<16xf32>,
      %get3A_105 = arith.constant 96 : index
      %get3A_106 = tpu.vector_load %arg8[%get3A_105] {strides = array<i32>} : memref<128xi32, #tpu.memory_space<vmem>>, vector<16xi32>,
      tpu.vector_store_idx %arg11[%get3A_106], %broadcast_in_dim3A_36 {add = true} : memref<10240xf32, #tpu.memory_space<vmem>>[vector<16xi32>], vector<16xf32>,
      %get3A_107 = arith.constant 112 : index
      %get3A_108 = tpu.vector_load %arg8[%get3A_107] {strides = array<i32>} : memref<128xi32, #tpu.memory_space<vmem>>, vector<16xi32>,
      tpu.vector_store_idx %arg11[%get3A_108], %broadcast_in_dim3A_36 {add = true} : memref<10240xf32, #tpu.memory_space<vmem>>[vector<16xi32>], vector<16xf32>,
    }
    %scan3A_44 = arith.constant 79 : i32
    %barrier3A_45 = arith.constant 0 : index
    tpu.barrier barrier_id(%barrier3A_45)
    %add3A_46 = arith.constant 0 : i32
    %add3A_47 = arith.addi %mul3A_14, %add3A_46 : i32
    %add3A_48 = arith.constant 0 : i32
    %add3A_49 = arith.addi %mul3A_14, %add3A_48 : i32
    "tpu.region"() ({
      %run_scoped3A = tpu.sem_alloc : memref<!tpu.dma_semaphore, #tpu.memory_space<semaphore_mem>>
      %dma_start3A = arith.constant 0 : i32
      %dma_start3A_86 = tpu.memref_slice %arg5[%arg0, %add3A_49, %dma_start3A] : memref<2x10240x128xf32, #tpu.memory_space<hbm>> -> memref<1x64x128xf32, #tpu.memory_space<hbm>>
      %dma_start3A_87 = tpu.memref_squeeze %dma_start3A_86 : memref<1x64x128xf32, #tpu.memory_space<hbm>> -> memref<64x128xf32, #tpu.memory_space<hbm>>
      %dma_start3A_88 = arith.constant 0 : i32
      %dma_start3A_89 = tpu.memref_slice %arg12[%add3A_47, %dma_start3A_88] : memref<10240x128xf32, #tpu.memory_space<vmem_shared>> -> memref<64x128xf32, #tpu.memory_space<vmem_shared>>
      tpu.enqueue_dma source(%dma_start3A_89 : memref<64x128xf32, #tpu.memory_space<vmem_shared>>) target(%dma_start3A_87 : memref<64x128xf32, #tpu.memory_space<hbm>>) target_semaphore(%run_scoped3A : memref<!tpu.dma_semaphore, #tpu.memory_space<semaphore_mem>>)
      %dma_wait3A = arith.constant 0 : i32
      %dma_wait3A_90 = tpu.memref_slice %arg5[%arg0, %add3A_49, %dma_wait3A] : memref<2x10240x128xf32, #tpu.memory_space<hbm>> -> memref<1x64x128xf32, #tpu.memory_space<hbm>>
      %dma_wait3A_91 = tpu.memref_squeeze %dma_wait3A_90 : memref<1x64x128xf32, #tpu.memory_space<hbm>> -> memref<64x128xf32, #tpu.memory_space<hbm>>
      %dma_wait3A_92 = arith.constant 0 : i32
      %dma_wait3A_93 = tpu.memref_slice %arg12[%add3A_47, %dma_wait3A_92] : memref<10240x128xf32, #tpu.memory_space<vmem_shared>> -> memref<64x128xf32, #tpu.memory_space<vmem_shared>>
      tpu.wait_dma2 semaphore(%run_scoped3A : memref<!tpu.dma_semaphore, #tpu.memory_space<semaphore_mem>>) src(%dma_wait3A_93 : memref<64x128xf32, #tpu.memory_space<vmem_shared>>) dst(%dma_wait3A_91 : memref<64x128xf32, #tpu.memory_space<hbm>>)
      tpu.yield
    }) : () -> ()
    %add3A_50 = arith.constant 64 : i32
    %add3A_51 = arith.addi %mul3A_14, %add3A_50 : i32
    %add3A_52 = arith.constant 64 : i32
    %add3A_53 = arith.addi %mul3A_14, %add3A_52 : i32
    "tpu.region"() ({
      %run_scoped3A = tpu.sem_alloc : memref<!tpu.dma_semaphore, #tpu.memory_space<semaphore_mem>>
      %dma_start3A = arith.constant 0 : i32
      %dma_start3A_86 = tpu.memref_slice %arg5[%arg0, %add3A_53, %dma_start3A] : memref<2x10240x128xf32, #tpu.memory_space<hbm>> -> memref<1x64x128xf32, #tpu.memory_space<hbm>>
      %dma_start3A_87 = tpu.memref_squeeze %dma_start3A_86 : memref<1x64x128xf32, #tpu.memory_space<hbm>> -> memref<64x128xf32, #tpu.memory_space<hbm>>
      %dma_start3A_88 = arith.constant 0 : i32
      %dma_start3A_89 = tpu.memref_slice %arg12[%add3A_51, %dma_start3A_88] : memref<10240x128xf32, #tpu.memory_space<vmem_shared>> -> memref<64x128xf32, #tpu.memory_space<vmem_shared>>
      tpu.enqueue_dma source(%dma_start3A_89 : memref<64x128xf32, #tpu.memory_space<vmem_shared>>) target(%dma_start3A_87 : memref<64x128xf32, #tpu.memory_space<hbm>>) target_semaphore(%run_scoped3A : memref<!tpu.dma_semaphore, #tpu.memory_space<semaphore_mem>>)
      %dma_wait3A = arith.constant 0 : i32
      %dma_wait3A_90 = tpu.memref_slice %arg5[%arg0, %add3A_53, %dma_wait3A] : memref<2x10240x128xf32, #tpu.memory_space<hbm>> -> memref<1x64x128xf32, #tpu.memory_space<hbm>>
      %dma_wait3A_91 = tpu.memref_squeeze %dma_wait3A_90 : memref<1x64x128xf32, #tpu.memory_space<hbm>> -> memref<64x128xf32, #tpu.memory_space<hbm>>
      %dma_wait3A_92 = arith.constant 0 : i32
      %dma_wait3A_93 = tpu.memref_slice %arg12[%add3A_51, %dma_wait3A_92] : memref<10240x128xf32, #tpu.memory_space<vmem_shared>> -> memref<64x128xf32, #tpu.memory_space<vmem_shared>>
      tpu.wait_dma2 semaphore(%run_scoped3A : memref<!tpu.dma_semaphore, #tpu.memory_space<semaphore_mem>>) src(%dma_wait3A_93 : memref<64x128xf32, #tpu.memory_space<vmem_shared>>) dst(%dma_wait3A_91 : memref<64x128xf32, #tpu.memory_space<hbm>>)
      tpu.yield
    }) : () -> ()
    %add3A_54 = arith.constant 128 : i32
    %add3A_55 = arith.addi %mul3A_14, %add3A_54 : i32
    %add3A_56 = arith.constant 128 : i32
    %add3A_57 = arith.addi %mul3A_14, %add3A_56 : i32
    "tpu.region"() ({
      %run_scoped3A = tpu.sem_alloc : memref<!tpu.dma_semaphore, #tpu.memory_space<semaphore_mem>>
      %dma_start3A = arith.constant 0 : i32
      %dma_start3A_86 = tpu.memref_slice %arg5[%arg0, %add3A_57, %dma_start3A] : memref<2x10240x128xf32, #tpu.memory_space<hbm>> -> memref<1x64x128xf32, #tpu.memory_space<hbm>>
      %dma_start3A_87 = tpu.memref_squeeze %dma_start3A_86 : memref<1x64x128xf32, #tpu.memory_space<hbm>> -> memref<64x128xf32, #tpu.memory_space<hbm>>
      %dma_start3A_88 = arith.constant 0 : i32
      %dma_start3A_89 = tpu.memref_slice %arg12[%add3A_55, %dma_start3A_88] : memref<10240x128xf32, #tpu.memory_space<vmem_shared>> -> memref<64x128xf32, #tpu.memory_space<vmem_shared>>
      tpu.enqueue_dma source(%dma_start3A_89 : memref<64x128xf32, #tpu.memory_space<vmem_shared>>) target(%dma_start3A_87 : memref<64x128xf32, #tpu.memory_space<hbm>>) target_semaphore(%run_scoped3A : memref<!tpu.dma_semaphore, #tpu.memory_space<semaphore_mem>>)
      %dma_wait3A = arith.constant 0 : i32
      %dma_wait3A_90 = tpu.memref_slice %arg5[%arg0, %add3A_57, %dma_wait3A] : memref<2x10240x128xf32, #tpu.memory_space<hbm>> -> memref<1x64x128xf32, #tpu.memory_space<hbm>>
      %dma_wait3A_91 = tpu.memref_squeeze %dma_wait3A_90 : memref<1x64x128xf32, #tpu.memory_space<hbm>> -> memref<64x128xf32, #tpu.memory_space<hbm>>
      %dma_wait3A_92 = arith.constant 0 : i32
      %dma_wait3A_93 = tpu.memref_slice %arg12[%add3A_55, %dma_wait3A_92] : memref<10240x128xf32, #tpu.memory_space<vmem_shared>> -> memref<64x128xf32, #tpu.memory_space<vmem_shared>>
      tpu.wait_dma2 semaphore(%run_scoped3A : memref<!tpu.dma_semaphore, #tpu.memory_space<semaphore_mem>>) src(%dma_wait3A_93 : memref<64x128xf32, #tpu.memory_space<vmem_shared>>) dst(%dma_wait3A_91 : memref<64x128xf32, #tpu.memory_space<hbm>>)
      tpu.yield
    }) : () -> ()
    %add3A_58 = arith.constant 192 : i32
    %add3A_59 = arith.addi %mul3A_14, %add3A_58 : i32
    %add3A_60 = arith.constant 192 : i32
    %add3A_61 = arith.addi %mul3A_14, %add3A_60 : i32
    "tpu.region"() ({
      %run_scoped3A = tpu.sem_alloc : memref<!tpu.dma_semaphore, #tpu.memory_space<semaphore_mem>>
      %dma_start3A = arith.constant 0 : i32
      %dma_start3A_86 = tpu.memref_slice %arg5[%arg0, %add3A_61, %dma_start3A] : memref<2x10240x128xf32, #tpu.memory_space<hbm>> -> memref<1x64x128xf32, #tpu.memory_space<hbm>>
      %dma_start3A_87 = tpu.memref_squeeze %dma_start3A_86 : memref<1x64x128xf32, #tpu.memory_space<hbm>> -> memref<64x128xf32, #tpu.memory_space<hbm>>
      %dma_start3A_88 = arith.constant 0 : i32
      %dma_start3A_89 = tpu.memref_slice %arg12[%add3A_59, %dma_start3A_88] : memref<10240x128xf32, #tpu.memory_space<vmem_shared>> -> memref<64x128xf32, #tpu.memory_space<vmem_shared>>
      tpu.enqueue_dma source(%dma_start3A_89 : memref<64x128xf32, #tpu.memory_space<vmem_shared>>) target(%dma_start3A_87 : memref<64x128xf32, #tpu.memory_space<hbm>>) target_semaphore(%run_scoped3A : memref<!tpu.dma_semaphore, #tpu.memory_space<semaphore_mem>>)
      %dma_wait3A = arith.constant 0 : i32
      %dma_wait3A_90 = tpu.memref_slice %arg5[%arg0, %add3A_61, %dma_wait3A] : memref<2x10240x128xf32, #tpu.memory_space<hbm>> -> memref<1x64x128xf32, #tpu.memory_space<hbm>>
      %dma_wait3A_91 = tpu.memref_squeeze %dma_wait3A_90 : memref<1x64x128xf32, #tpu.memory_space<hbm>> -> memref<64x128xf32, #tpu.memory_space<hbm>>
      %dma_wait3A_92 = arith.constant 0 : i32
      %dma_wait3A_93 = tpu.memref_slice %arg12[%add3A_59, %dma_wait3A_92] : memref<10240x128xf32, #tpu.memory_space<vmem_shared>> -> memref<64x128xf32, #tpu.memory_space<vmem_shared>>
      tpu.wait_dma2 semaphore(%run_scoped3A : memref<!tpu.dma_semaphore, #tpu.memory_space<semaphore_mem>>) src(%dma_wait3A_93 : memref<64x128xf32, #tpu.memory_space<vmem_shared>>) dst(%dma_wait3A_91 : memref<64x128xf32, #tpu.memory_space<hbm>>)
      tpu.yield
    }) : () -> ()
    %add3A_62 = arith.constant 256 : i32
    %add3A_63 = arith.addi %mul3A_14, %add3A_62 : i32
    %add3A_64 = arith.constant 256 : i32
    %add3A_65 = arith.addi %mul3A_14, %add3A_64 : i32
    "tpu.region"() ({
      %run_scoped3A = tpu.sem_alloc : memref<!tpu.dma_semaphore, #tpu.memory_space<semaphore_mem>>
      %dma_start3A = arith.constant 0 : i32
      %dma_start3A_86 = tpu.memref_slice %arg5[%arg0, %add3A_65, %dma_start3A] : memref<2x10240x128xf32, #tpu.memory_space<hbm>> -> memref<1x64x128xf32, #tpu.memory_space<hbm>>
      %dma_start3A_87 = tpu.memref_squeeze %dma_start3A_86 : memref<1x64x128xf32, #tpu.memory_space<hbm>> -> memref<64x128xf32, #tpu.memory_space<hbm>>
      %dma_start3A_88 = arith.constant 0 : i32
      %dma_start3A_89 = tpu.memref_slice %arg12[%add3A_63, %dma_start3A_88] : memref<10240x128xf32, #tpu.memory_space<vmem_shared>> -> memref<64x128xf32, #tpu.memory_space<vmem_shared>>
      tpu.enqueue_dma source(%dma_start3A_89 : memref<64x128xf32, #tpu.memory_space<vmem_shared>>) target(%dma_start3A_87 : memref<64x128xf32, #tpu.memory_space<hbm>>) target_semaphore(%run_scoped3A : memref<!tpu.dma_semaphore, #tpu.memory_space<semaphore_mem>>)
      %dma_wait3A = arith.constant 0 : i32
      %dma_wait3A_90 = tpu.memref_slice %arg5[%arg0, %add3A_65, %dma_wait3A] : memref<2x10240x128xf32, #tpu.memory_space<hbm>> -> memref<1x64x128xf32, #tpu.memory_space<hbm>>
      %dma_wait3A_91 = tpu.memref_squeeze %dma_wait3A_90 : memref<1x64x128xf32, #tpu.memory_space<hbm>> -> memref<64x128xf32, #tpu.memory_space<hbm>>
      %dma_wait3A_92 = arith.constant 0 : i32
      %dma_wait3A_93 = tpu.memref_slice %arg12[%add3A_63, %dma_wait3A_92] : memref<10240x128xf32, #tpu.memory_space<vmem_shared>> -> memref<64x128xf32, #tpu.memory_space<vmem_shared>>
      tpu.wait_dma2 semaphore(%run_scoped3A : memref<!tpu.dma_semaphore, #tpu.memory_space<semaphore_mem>>) src(%dma_wait3A_93 : memref<64x128xf32, #tpu.memory_space<vmem_shared>>) dst(%dma_wait3A_91 : memref<64x128xf32, #tpu.memory_space<hbm>>)
      tpu.yield
    }) : () -> ()
    %add3A_66 = arith.constant 320 : i32
    %add3A_67 = arith.addi %mul3A_14, %add3A_66 : i32
    %add3A_68 = arith.constant 320 : i32
    %add3A_69 = arith.addi %mul3A_14, %add3A_68 : i32
    "tpu.region"() ({
      %run_scoped3A = tpu.sem_alloc : memref<!tpu.dma_semaphore, #tpu.memory_space<semaphore_mem>>
      %dma_start3A = arith.constant 0 : i32
      %dma_start3A_86 = tpu.memref_slice %arg5[%arg0, %add3A_69, %dma_start3A] : memref<2x10240x128xf32, #tpu.memory_space<hbm>> -> memref<1x64x128xf32, #tpu.memory_space<hbm>>
      %dma_start3A_87 = tpu.memref_squeeze %dma_start3A_86 : memref<1x64x128xf32, #tpu.memory_space<hbm>> -> memref<64x128xf32, #tpu.memory_space<hbm>>
      %dma_start3A_88 = arith.constant 0 : i32
      %dma_start3A_89 = tpu.memref_slice %arg12[%add3A_67, %dma_start3A_88] : memref<10240x128xf32, #tpu.memory_space<vmem_shared>> -> memref<64x128xf32, #tpu.memory_space<vmem_shared>>
      tpu.enqueue_dma source(%dma_start3A_89 : memref<64x128xf32, #tpu.memory_space<vmem_shared>>) target(%dma_start3A_87 : memref<64x128xf32, #tpu.memory_space<hbm>>) target_semaphore(%run_scoped3A : memref<!tpu.dma_semaphore, #tpu.memory_space<semaphore_mem>>)
      %dma_wait3A = arith.constant 0 : i32
      %dma_wait3A_90 = tpu.memref_slice %arg5[%arg0, %add3A_69, %dma_wait3A] : memref<2x10240x128xf32, #tpu.memory_space<hbm>> -> memref<1x64x128xf32, #tpu.memory_space<hbm>>
      %dma_wait3A_91 = tpu.memref_squeeze %dma_wait3A_90 : memref<1x64x128xf32, #tpu.memory_space<hbm>> -> memref<64x128xf32, #tpu.memory_space<hbm>>
      %dma_wait3A_92 = arith.constant 0 : i32
      %dma_wait3A_93 = tpu.memref_slice %arg12[%add3A_67, %dma_wait3A_92] : memref<10240x128xf32, #tpu.memory_space<vmem_shared>> -> memref<64x128xf32, #tpu.memory_space<vmem_shared>>
      tpu.wait_dma2 semaphore(%run_scoped3A : memref<!tpu.dma_semaphore, #tpu.memory_space<semaphore_mem>>) src(%dma_wait3A_93 : memref<64x128xf32, #tpu.memory_space<vmem_shared>>) dst(%dma_wait3A_91 : memref<64x128xf32, #tpu.memory_space<hbm>>)
      tpu.yield
    }) : () -> ()
    %add3A_70 = arith.constant 384 : i32
    %add3A_71 = arith.addi %mul3A_14, %add3A_70 : i32
    %add3A_72 = arith.constant 384 : i32
    %add3A_73 = arith.addi %mul3A_14, %add3A_72 : i32
    "tpu.region"() ({
      %run_scoped3A = tpu.sem_alloc : memref<!tpu.dma_semaphore, #tpu.memory_space<semaphore_mem>>
      %dma_start3A = arith.constant 0 : i32
      %dma_start3A_86 = tpu.memref_slice %arg5[%arg0, %add3A_73, %dma_start3A] : memref<2x10240x128xf32, #tpu.memory_space<hbm>> -> memref<1x64x128xf32, #tpu.memory_space<hbm>>
      %dma_start3A_87 = tpu.memref_squeeze %dma_start3A_86 : memref<1x64x128xf32, #tpu.memory_space<hbm>> -> memref<64x128xf32, #tpu.memory_space<hbm>>
      %dma_start3A_88 = arith.constant 0 : i32
      %dma_start3A_89 = tpu.memref_slice %arg12[%add3A_71, %dma_start3A_88] : memref<10240x128xf32, #tpu.memory_space<vmem_shared>> -> memref<64x128xf32, #tpu.memory_space<vmem_shared>>
      tpu.enqueue_dma source(%dma_start3A_89 : memref<64x128xf32, #tpu.memory_space<vmem_shared>>) target(%dma_start3A_87 : memref<64x128xf32, #tpu.memory_space<hbm>>) target_semaphore(%run_scoped3A : memref<!tpu.dma_semaphore, #tpu.memory_space<semaphore_mem>>)
      %dma_wait3A = arith.constant 0 : i32
      %dma_wait3A_90 = tpu.memref_slice %arg5[%arg0, %add3A_73, %dma_wait3A] : memref<2x10240x128xf32, #tpu.memory_space<hbm>> -> memref<1x64x128xf32, #tpu.memory_space<hbm>>
      %dma_wait3A_91 = tpu.memref_squeeze %dma_wait3A_90 : memref<1x64x128xf32, #tpu.memory_space<hbm>> -> memref<64x128xf32, #tpu.memory_space<hbm>>
      %dma_wait3A_92 = arith.constant 0 : i32
      %dma_wait3A_93 = tpu.memref_slice %arg12[%add3A_71, %dma_wait3A_92] : memref<10240x128xf32, #tpu.memory_space<vmem_shared>> -> memref<64x128xf32, #tpu.memory_space<vmem_shared>>
      tpu.wait_dma2 semaphore(%run_scoped3A : memref<!tpu.dma_semaphore, #tpu.memory_space<semaphore_mem>>) src(%dma_wait3A_93 : memref<64x128xf32, #tpu.memory_space<vmem_shared>>) dst(%dma_wait3A_91 : memref<64x128xf32, #tpu.memory_space<hbm>>)
      tpu.yield
    }) : () -> ()
    %add3A_74 = arith.constant 448 : i32
    %add3A_75 = arith.addi %mul3A_14, %add3A_74 : i32
    %add3A_76 = arith.constant 448 : i32
    %add3A_77 = arith.addi %mul3A_14, %add3A_76 : i32
    "tpu.region"() ({
      %run_scoped3A = tpu.sem_alloc : memref<!tpu.dma_semaphore, #tpu.memory_space<semaphore_mem>>
      %dma_start3A = arith.constant 0 : i32
      %dma_start3A_86 = tpu.memref_slice %arg5[%arg0, %add3A_77, %dma_start3A] : memref<2x10240x128xf32, #tpu.memory_space<hbm>> -> memref<1x64x128xf32, #tpu.memory_space<hbm>>
      %dma_start3A_87 = tpu.memref_squeeze %dma_start3A_86 : memref<1x64x128xf32, #tpu.memory_space<hbm>> -> memref<64x128xf32, #tpu.memory_space<hbm>>
      %dma_start3A_88 = arith.constant 0 : i32
      %dma_start3A_89 = tpu.memref_slice %arg12[%add3A_75, %dma_start3A_88] : memref<10240x128xf32, #tpu.memory_space<vmem_shared>> -> memref<64x128xf32, #tpu.memory_space<vmem_shared>>
      tpu.enqueue_dma source(%dma_start3A_89 : memref<64x128xf32, #tpu.memory_space<vmem_shared>>) target(%dma_start3A_87 : memref<64x128xf32, #tpu.memory_space<hbm>>) target_semaphore(%run_scoped3A : memref<!tpu.dma_semaphore, #tpu.memory_space<semaphore_mem>>)
      %dma_wait3A = arith.constant 0 : i32
      %dma_wait3A_90 = tpu.memref_slice %arg5[%arg0, %add3A_77, %dma_wait3A] : memref<2x10240x128xf32, #tpu.memory_space<hbm>> -> memref<1x64x128xf32, #tpu.memory_space<hbm>>
      %dma_wait3A_91 = tpu.memref_squeeze %dma_wait3A_90 : memref<1x64x128xf32, #tpu.memory_space<hbm>> -> memref<64x128xf32, #tpu.memory_space<hbm>>
      %dma_wait3A_92 = arith.constant 0 : i32
      %dma_wait3A_93 = tpu.memref_slice %arg12[%add3A_75, %dma_wait3A_92] : memref<10240x128xf32, #tpu.memory_space<vmem_shared>> -> memref<64x128xf32, #tpu.memory_space<vmem_shared>>
      tpu.wait_dma2 semaphore(%run_scoped3A : memref<!tpu.dma_semaphore, #tpu.memory_space<semaphore_mem>>) src(%dma_wait3A_93 : memref<64x128xf32, #tpu.memory_space<vmem_shared>>) dst(%dma_wait3A_91 : memref<64x128xf32, #tpu.memory_space<hbm>>)
      tpu.yield
    }) : () -> ()
    %add3A_78 = arith.constant 512 : i32
    %add3A_79 = arith.addi %mul3A_14, %add3A_78 : i32
    %add3A_80 = arith.constant 512 : i32
    %add3A_81 = arith.addi %mul3A_14, %add3A_80 : i32
    "tpu.region"() ({
      %run_scoped3A = tpu.sem_alloc : memref<!tpu.dma_semaphore, #tpu.memory_space<semaphore_mem>>
      %dma_start3A = arith.constant 0 : i32
      %dma_start3A_86 = tpu.memref_slice %arg5[%arg0, %add3A_81, %dma_start3A] : memref<2x10240x128xf32, #tpu.memory_space<hbm>> -> memref<1x64x128xf32, #tpu.memory_space<hbm>>
      %dma_start3A_87 = tpu.memref_squeeze %dma_start3A_86 : memref<1x64x128xf32, #tpu.memory_space<hbm>> -> memref<64x128xf32, #tpu.memory_space<hbm>>
      %dma_start3A_88 = arith.constant 0 : i32
      %dma_start3A_89 = tpu.memref_slice %arg12[%add3A_79, %dma_start3A_88] : memref<10240x128xf32, #tpu.memory_space<vmem_shared>> -> memref<64x128xf32, #tpu.memory_space<vmem_shared>>
      tpu.enqueue_dma source(%dma_start3A_89 : memref<64x128xf32, #tpu.memory_space<vmem_shared>>) target(%dma_start3A_87 : memref<64x128xf32, #tpu.memory_space<hbm>>) target_semaphore(%run_scoped3A : memref<!tpu.dma_semaphore, #tpu.memory_space<semaphore_mem>>)
      %dma_wait3A = arith.constant 0 : i32
      %dma_wait3A_90 = tpu.memref_slice %arg5[%arg0, %add3A_81, %dma_wait3A] : memref<2x10240x128xf32, #tpu.memory_space<hbm>> -> memref<1x64x128xf32, #tpu.memory_space<hbm>>
      %dma_wait3A_91 = tpu.memref_squeeze %dma_wait3A_90 : memref<1x64x128xf32, #tpu.memory_space<hbm>> -> memref<64x128xf32, #tpu.memory_space<hbm>>
      %dma_wait3A_92 = arith.constant 0 : i32
      %dma_wait3A_93 = tpu.memref_slice %arg12[%add3A_79, %dma_wait3A_92] : memref<10240x128xf32, #tpu.memory_space<vmem_shared>> -> memref<64x128xf32, #tpu.memory_space<vmem_shared>>
      tpu.wait_dma2 semaphore(%run_scoped3A : memref<!tpu.dma_semaphore, #tpu.memory_space<semaphore_mem>>) src(%dma_wait3A_93 : memref<64x128xf32, #tpu.memory_space<vmem_shared>>) dst(%dma_wait3A_91 : memref<64x128xf32, #tpu.memory_space<hbm>>)
      tpu.yield
    }) : () -> ()
    %add3A_82 = arith.constant 576 : i32
    %add3A_83 = arith.addi %mul3A_14, %add3A_82 : i32
    %add3A_84 = arith.constant 576 : i32
    %add3A_85 = arith.addi %mul3A_14, %add3A_84 : i32
    "tpu.region"() ({
      %run_scoped3A = tpu.sem_alloc : memref<!tpu.dma_semaphore, #tpu.memory_space<semaphore_mem>>
      %dma_start3A = arith.constant 0 : i32
      %dma_start3A_86 = tpu.memref_slice %arg5[%arg0, %add3A_85, %dma_start3A] : memref<2x10240x128xf32, #tpu.memory_space<hbm>> -> memref<1x64x128xf32, #tpu.memory_space<hbm>>
      %dma_start3A_87 = tpu.memref_squeeze %dma_start3A_86 : memref<1x64x128xf32, #tpu.memory_space<hbm>> -> memref<64x128xf32, #tpu.memory_space<hbm>>
      %dma_start3A_88 = arith.constant 0 : i32
      %dma_start3A_89 = tpu.memref_slice %arg12[%add3A_83, %dma_start3A_88] : memref<10240x128xf32, #tpu.memory_space<vmem_shared>> -> memref<64x128xf32, #tpu.memory_space<vmem_shared>>
      tpu.enqueue_dma source(%dma_start3A_89 : memref<64x128xf32, #tpu.memory_space<vmem_shared>>) target(%dma_start3A_87 : memref<64x128xf32, #tpu.memory_space<hbm>>) target_semaphore(%run_scoped3A : memref<!tpu.dma_semaphore, #tpu.memory_space<semaphore_mem>>)
      %dma_wait3A = arith.constant 0 : i32
      %dma_wait3A_90 = tpu.memref_slice %arg5[%arg0, %add3A_85, %dma_wait3A] : memref<2x10240x128xf32, #tpu.memory_space<hbm>> -> memref<1x64x128xf32, #tpu.memory_space<hbm>>
      %dma_wait3A_91 = tpu.memref_squeeze %dma_wait3A_90 : memref<1x64x128xf32, #tpu.memory_space<hbm>> -> memref<64x128xf32, #tpu.memory_space<hbm>>
      %dma_wait3A_92 = arith.constant 0 : i32
      %dma_wait3A_93 = tpu.memref_slice %arg12[%add3A_83, %dma_wait3A_92] : memref<10240x128xf32, #tpu.memory_space<vmem_shared>> -> memref<64x128xf32, #tpu.memory_space<vmem_shared>>
      tpu.wait_dma2 semaphore(%run_scoped3A : memref<!tpu.dma_semaphore, #tpu.memory_space<semaphore_mem>>) src(%dma_wait3A_93 : memref<64x128xf32, #tpu.memory_space<vmem_shared>>) dst(%dma_wait3A_91 : memref<64x128xf32, #tpu.memory_space<hbm>>)
      tpu.yield
    }) : () -> ()
    "tpu.region"() ({
      %run_scoped3A = tpu.sem_alloc : memref<!tpu.dma_semaphore, #tpu.memory_space<semaphore_mem>>
      %dma_start3A = arith.constant 0 : i32
      %dma_start3A_86 = tpu.memref_slice %arg6[%add3A, %dma_start3A] : memref<32x10240xf32, #tpu.memory_space<hbm>> -> memref<1x10240xf32, #tpu.memory_space<hbm>>
      %dma_start3A_87 = tpu.memref_squeeze %dma_start3A_86 : memref<1x10240xf32, #tpu.memory_space<hbm>> -> memref<10240xf32, #tpu.memory_space<hbm>>
      %dma_start3A_88 = arith.constant 0 : i32
      %dma_start3A_89 = tpu.memref_slice %arg6[%add3A, %dma_start3A_88] : memref<32x10240xf32, #tpu.memory_space<hbm>> -> memref<1x10240xf32, #tpu.memory_space<hbm>>
      %dma_start3A_90 = tpu.memref_squeeze %dma_start3A_89 : memref<1x10240xf32, #tpu.memory_space<hbm>> -> memref<10240xf32, #tpu.memory_space<hbm>>
      tpu.enqueue_dma source(%arg11 : memref<10240xf32, #tpu.memory_space<vmem>>) target(%dma_start3A_90 : memref<10240xf32, #tpu.memory_space<hbm>>) target_semaphore(%run_scoped3A : memref<!tpu.dma_semaphore, #tpu.memory_space<semaphore_mem>>)
      %dma_wait3A = arith.constant 0 : i32
      %dma_wait3A_91 = tpu.memref_slice %arg6[%add3A, %dma_wait3A] : memref<32x10240xf32, #tpu.memory_space<hbm>> -> memref<1x10240xf32, #tpu.memory_space<hbm>>
      %dma_wait3A_92 = tpu.memref_squeeze %dma_wait3A_91 : memref<1x10240xf32, #tpu.memory_space<hbm>> -> memref<10240xf32, #tpu.memory_space<hbm>>
      %dma_wait3A_93 = arith.constant 0 : i32
      %dma_wait3A_94 = tpu.memref_slice %arg6[%add3A, %dma_wait3A_93] : memref<32x10240xf32, #tpu.memory_space<hbm>> -> memref<1x10240xf32, #tpu.memory_space<hbm>>
      %dma_wait3A_95 = tpu.memref_squeeze %dma_wait3A_94 : memref<1x10240xf32, #tpu.memory_space<hbm>> -> memref<10240xf32, #tpu.memory_space<hbm>>
      tpu.wait_dma2 semaphore(%run_scoped3A : memref<!tpu.dma_semaphore, #tpu.memory_space<semaphore_mem>>) src(%arg11 : memref<10240xf32, #tpu.memory_space<vmem>>) dst(%dma_wait3A_95 : memref<10240xf32, #tpu.memory_space<hbm>>)
      tpu.yield
    }) : () -> ()
    return
  }
}

#map = affine_map<(d0, d1) -> (0, 0)>
#map1 = affine_map<(d0, d1) -> (0)>
#map2 = affine_map<(d0, d1) -> (0, 0, 0)>
module attributes {stable_mosaic.version = 14 : i64} {
  func.func @_sc_scatter_body(%arg0: i32, %arg1: i32, %arg2: memref<10240x128xf32, #tpu.memory_space<hbm>>, %arg3: memref<323584xi32, #tpu.memory_space<hbm>>, %arg4: memref<323584xi32, #tpu.memory_space<hbm>>, %arg5: memref<2x10240x128xf32, #tpu.memory_space<hbm>>, %arg6: memref<32x10240xf32, #tpu.memory_space<hbm>>, %arg7: memref<128xi32, #tpu.memory_space<vmem>>, %arg8: memref<128xi32, #tpu.memory_space<vmem>>, %arg9: memref<128x128xf32, #tpu.memory_space<vmem>>, %arg10: memref<64x128xf32, #tpu.memory_space<vmem>>, %arg11: memref<10240xf32, #tpu.memory_space<vmem>>, %arg12: memref<10240x128xf32, #tpu.memory_space<vmem_shared>>, %arg13: memref<!tpu.dma_semaphore, #tpu.memory_space<semaphore_mem>>) attributes {dimension_semantics = [#tpu.dimension_semantics<core_parallel>, #tpu.dimension_semantics<subcore_parallel>], iteration_bounds = array<i64: 2, 16>, scalar_prefetch = 0 : i64, scratch_operands = 7 : i64, tpu.core_type = #tpu.core_type<sc_vector_subcore>, window_params = [{transform_indices = #map}, {transform_indices = #map1}, {transform_indices = #map1}, {transform_indices = #map2}, {transform_indices = #map}]} {
    %mul3A = arith.constant 16 : i32
    %mul3A_0 = arith.muli %arg0, %mul3A : i32
    %add3A = arith.addi %mul3A_0, %arg1 : i32
    %broadcast_in_dim3A = arith.constant 0.000000e+00 : f32
    %broadcast_in_dim3A_1 = vector.broadcast %broadcast_in_dim3A : f32 to vector<16xf32>
    %scan3A = arith.constant 0 : i32
    %scan3A_2 = arith.constant 0 : i32
    %scan3A_3 = arith.constant 64 : i32
    %scan3A_4 = arith.addi %scan3A_2, %scan3A_3 : i32
    %scan3A_5 = arith.constant 1 : i32
    scf.for %scan3A_86 = %scan3A_2 to %scan3A_4 step %scan3A_5  : i32 {
      %swap3A = arith.index_cast %scan3A_86 : i32 to index
      %swap3A_87 = arith.constant 0 : index
      %swap3A_88 = tpu.vector_load %arg10[%swap3A, %swap3A_87] {strides = array<i32>} : memref<64x128xf32, #tpu.memory_space<vmem>>, vector<16xf32>,
      tpu.vector_store %arg10[%swap3A, %swap3A_87], %broadcast_in_dim3A_1 {strides = array<i32>} : memref<64x128xf32, #tpu.memory_space<vmem>>, vector<16xf32>,
      %swap3A_89 = arith.index_cast %scan3A_86 : i32 to index
      %swap3A_90 = arith.constant 16 : index
      %swap3A_91 = tpu.vector_load %arg10[%swap3A_89, %swap3A_90] {strides = array<i32>} : memref<64x128xf32, #tpu.memory_space<vmem>>, vector<16xf32>,
      tpu.vector_store %arg10[%swap3A_89, %swap3A_90], %broadcast_in_dim3A_1 {strides = array<i32>} : memref<64x128xf32, #tpu.memory_space<vmem>>, vector<16xf32>,
      %swap3A_92 = arith.index_cast %scan3A_86 : i32 to index
      %swap3A_93 = arith.constant 32 : index
      %swap3A_94 = tpu.vector_load %arg10[%swap3A_92, %swap3A_93] {strides = array<i32>} : memref<64x128xf32, #tpu.memory_space<vmem>>, vector<16xf32>,
      tpu.vector_store %arg10[%swap3A_92, %swap3A_93], %broadcast_in_dim3A_1 {strides = array<i32>} : memref<64x128xf32, #tpu.memory_space<vmem>>, vector<16xf32>,
      %swap3A_95 = arith.index_cast %scan3A_86 : i32 to index
      %swap3A_96 = arith.constant 48 : index
      %swap3A_97 = tpu.vector_load %arg10[%swap3A_95, %swap3A_96] {strides = array<i32>} : memref<64x128xf32, #tpu.memory_space<vmem>>, vector<16xf32>,
      tpu.vector_store %arg10[%swap3A_95, %swap3A_96], %broadcast_in_dim3A_1 {strides = array<i32>} : memref<64x128xf32, #tpu.memory_space<vmem>>, vector<16xf32>,
      %swap3A_98 = arith.index_cast %scan3A_86 : i32 to index
      %swap3A_99 = arith.constant 64 : index
      %swap3A_100 = tpu.vector_load %arg10[%swap3A_98, %swap3A_99] {strides = array<i32>} : memref<64x128xf32, #tpu.memory_space<vmem>>, vector<16xf32>,
      tpu.vector_store %arg10[%swap3A_98, %swap3A_99], %broadcast_in_dim3A_1 {strides = array<i32>} : memref<64x128xf32, #tpu.memory_space<vmem>>, vector<16xf32>,
      %swap3A_101 = arith.index_cast %scan3A_86 : i32 to index
      %swap3A_102 = arith.constant 80 : index
      %swap3A_103 = tpu.vector_load %arg10[%swap3A_101, %swap3A_102] {strides = array<i32>} : memref<64x128xf32, #tpu.memory_space<vmem>>, vector<16xf32>,
      tpu.vector_store %arg10[%swap3A_101, %swap3A_102], %broadcast_in_dim3A_1 {strides = array<i32>} : memref<64x128xf32, #tpu.memory_space<vmem>>, vector<16xf32>,
      %swap3A_104 = arith.index_cast %scan3A_86 : i32 to index
      %swap3A_105 = arith.constant 96 : index
      %swap3A_106 = tpu.vector_load %arg10[%swap3A_104, %swap3A_105] {strides = array<i32>} : memref<64x128xf32, #tpu.memory_space<vmem>>, vector<16xf32>,
      tpu.vector_store %arg10[%swap3A_104, %swap3A_105], %broadcast_in_dim3A_1 {strides = array<i32>} : memref<64x128xf32, #tpu.memory_space<vmem>>, vector<16xf32>,
      %swap3A_107 = arith.index_cast %scan3A_86 : i32 to index
      %swap3A_108 = arith.constant 112 : index
      %swap3A_109 = tpu.vector_load %arg10[%swap3A_107, %swap3A_108] {strides = array<i32>} : memref<64x128xf32, #tpu.memory_space<vmem>>, vector<16xf32>,
      tpu.vector_store %arg10[%swap3A_107, %swap3A_108], %broadcast_in_dim3A_1 {strides = array<i32>} : memref<64x128xf32, #tpu.memory_space<vmem>>, vector<16xf32>,
    }
    %scan3A_6 = arith.constant 64 : i32
    %scan3A_7 = arith.constant 0 : i32
    %scan3A_8 = arith.constant 0 : i32
    %scan3A_9 = arith.constant 640 : i32
    %scan3A_10 = arith.addi %scan3A_8, %scan3A_9 : i32
    %scan3A_11 = arith.constant 1 : i32
    scf.for %scan3A_86 = %scan3A_8 to %scan3A_10 step %scan3A_11  : i32 {
      %mul3A_87 = arith.constant 16 : i32
      %mul3A_88 = arith.muli %scan3A_86, %mul3A_87 : i32
      %swap3A = arith.index_cast %mul3A_88 : i32 to index
      %swap3A_89 = tpu.vector_load %arg11[%swap3A] {strides = array<i32>} : memref<10240xf32, #tpu.memory_space<vmem>>, vector<16xf32>,
      tpu.vector_store %arg11[%swap3A], %broadcast_in_dim3A_1 {strides = array<i32>} : memref<10240xf32, #tpu.memory_space<vmem>>, vector<16xf32>,
    }
    %scan3A_12 = arith.constant 640 : i32
    %mul3A_13 = arith.constant 640 : i32
    %mul3A_14 = arith.muli %arg1, %mul3A_13 : i32
    %add3A_15 = arith.constant 0 : i32
    %add3A_16 = arith.addi %mul3A_14, %add3A_15 : i32
    "tpu.region"() ({
      %run_scoped3A = tpu.sem_alloc : memref<!tpu.dma_semaphore, #tpu.memory_space<semaphore_mem>>
      %dma_start3A = arith.constant 0 : i32
      %dma_start3A_86 = tpu.memref_slice %arg12[%add3A_16, %dma_start3A] : memref<10240x128xf32, #tpu.memory_space<vmem_shared>> -> memref<64x128xf32, #tpu.memory_space<vmem_shared>>
      %dma_start3A_87 = arith.constant 0 : i32
      %dma_start3A_88 = tpu.memref_slice %arg12[%add3A_16, %dma_start3A_87] : memref<10240x128xf32, #tpu.memory_space<vmem_shared>> -> memref<64x128xf32, #tpu.memory_space<vmem_shared>>
      tpu.enqueue_dma source(%arg10 : memref<64x128xf32, #tpu.memory_space<vmem>>) target(%dma_start3A_88 : memref<64x128xf32, #tpu.memory_space<vmem_shared>>) target_semaphore(%run_scoped3A : memref<!tpu.dma_semaphore, #tpu.memory_space<semaphore_mem>>)
      %dma_wait3A = arith.constant 0 : i32
      %dma_wait3A_89 = tpu.memref_slice %arg12[%add3A_16, %dma_wait3A] : memref<10240x128xf32, #tpu.memory_space<vmem_shared>> -> memref<64x128xf32, #tpu.memory_space<vmem_shared>>
      %dma_wait3A_90 = arith.constant 0 : i32
      %dma_wait3A_91 = tpu.memref_slice %arg12[%add3A_16, %dma_wait3A_90] : memref<10240x128xf32, #tpu.memory_space<vmem_shared>> -> memref<64x128xf32, #tpu.memory_space<vmem_shared>>
      tpu.wait_dma2 semaphore(%run_scoped3A : memref<!tpu.dma_semaphore, #tpu.memory_space<semaphore_mem>>) src(%arg10 : memref<64x128xf32, #tpu.memory_space<vmem>>) dst(%dma_wait3A_91 : memref<64x128xf32, #tpu.memory_space<vmem_shared>>)
      tpu.yield
    }) : () -> ()
    %add3A_17 = arith.constant 64 : i32
    %add3A_18 = arith.addi %mul3A_14, %add3A_17 : i32
    "tpu.region"() ({
      %run_scoped3A = tpu.sem_alloc : memref<!tpu.dma_semaphore, #tpu.memory_space<semaphore_mem>>
      %dma_start3A = arith.constant 0 : i32
      %dma_start3A_86 = tpu.memref_slice %arg12[%add3A_18, %dma_start3A] : memref<10240x128xf32, #tpu.memory_space<vmem_shared>> -> memref<64x128xf32, #tpu.memory_space<vmem_shared>>
      %dma_start3A_87 = arith.constant 0 : i32
      %dma_start3A_88 = tpu.memref_slice %arg12[%add3A_18, %dma_start3A_87] : memref<10240x128xf32, #tpu.memory_space<vmem_shared>> -> memref<64x128xf32, #tpu.memory_space<vmem_shared>>
      tpu.enqueue_dma source(%arg10 : memref<64x128xf32, #tpu.memory_space<vmem>>) target(%dma_start3A_88 : memref<64x128xf32, #tpu.memory_space<vmem_shared>>) target_semaphore(%run_scoped3A : memref<!tpu.dma_semaphore, #tpu.memory_space<semaphore_mem>>)
      %dma_wait3A = arith.constant 0 : i32
      %dma_wait3A_89 = tpu.memref_slice %arg12[%add3A_18, %dma_wait3A] : memref<10240x128xf32, #tpu.memory_space<vmem_shared>> -> memref<64x128xf32, #tpu.memory_space<vmem_shared>>
      %dma_wait3A_90 = arith.constant 0 : i32
      %dma_wait3A_91 = tpu.memref_slice %arg12[%add3A_18, %dma_wait3A_90] : memref<10240x128xf32, #tpu.memory_space<vmem_shared>> -> memref<64x128xf32, #tpu.memory_space<vmem_shared>>
      tpu.wait_dma2 semaphore(%run_scoped3A : memref<!tpu.dma_semaphore, #tpu.memory_space<semaphore_mem>>) src(%arg10 : memref<64x128xf32, #tpu.memory_space<vmem>>) dst(%dma_wait3A_91 : memref<64x128xf32, #tpu.memory_space<vmem_shared>>)
      tpu.yield
    }) : () -> ()
    %add3A_19 = arith.constant 128 : i32
    %add3A_20 = arith.addi %mul3A_14, %add3A_19 : i32
    "tpu.region"() ({
      %run_scoped3A = tpu.sem_alloc : memref<!tpu.dma_semaphore, #tpu.memory_space<semaphore_mem>>
      %dma_start3A = arith.constant 0 : i32
      %dma_start3A_86 = tpu.memref_slice %arg12[%add3A_20, %dma_start3A] : memref<10240x128xf32, #tpu.memory_space<vmem_shared>> -> memref<64x128xf32, #tpu.memory_space<vmem_shared>>
      %dma_start3A_87 = arith.constant 0 : i32
      %dma_start3A_88 = tpu.memref_slice %arg12[%add3A_20, %dma_start3A_87] : memref<10240x128xf32, #tpu.memory_space<vmem_shared>> -> memref<64x128xf32, #tpu.memory_space<vmem_shared>>
      tpu.enqueue_dma source(%arg10 : memref<64x128xf32, #tpu.memory_space<vmem>>) target(%dma_start3A_88 : memref<64x128xf32, #tpu.memory_space<vmem_shared>>) target_semaphore(%run_scoped3A : memref<!tpu.dma_semaphore, #tpu.memory_space<semaphore_mem>>)
      %dma_wait3A = arith.constant 0 : i32
      %dma_wait3A_89 = tpu.memref_slice %arg12[%add3A_20, %dma_wait3A] : memref<10240x128xf32, #tpu.memory_space<vmem_shared>> -> memref<64x128xf32, #tpu.memory_space<vmem_shared>>
      %dma_wait3A_90 = arith.constant 0 : i32
      %dma_wait3A_91 = tpu.memref_slice %arg12[%add3A_20, %dma_wait3A_90] : memref<10240x128xf32, #tpu.memory_space<vmem_shared>> -> memref<64x128xf32, #tpu.memory_space<vmem_shared>>
      tpu.wait_dma2 semaphore(%run_scoped3A : memref<!tpu.dma_semaphore, #tpu.memory_space<semaphore_mem>>) src(%arg10 : memref<64x128xf32, #tpu.memory_space<vmem>>) dst(%dma_wait3A_91 : memref<64x128xf32, #tpu.memory_space<vmem_shared>>)
      tpu.yield
    }) : () -> ()
    %add3A_21 = arith.constant 192 : i32
    %add3A_22 = arith.addi %mul3A_14, %add3A_21 : i32
    "tpu.region"() ({
      %run_scoped3A = tpu.sem_alloc : memref<!tpu.dma_semaphore, #tpu.memory_space<semaphore_mem>>
      %dma_start3A = arith.constant 0 : i32
      %dma_start3A_86 = tpu.memref_slice %arg12[%add3A_22, %dma_start3A] : memref<10240x128xf32, #tpu.memory_space<vmem_shared>> -> memref<64x128xf32, #tpu.memory_space<vmem_shared>>
      %dma_start3A_87 = arith.constant 0 : i32
      %dma_start3A_88 = tpu.memref_slice %arg12[%add3A_22, %dma_start3A_87] : memref<10240x128xf32, #tpu.memory_space<vmem_shared>> -> memref<64x128xf32, #tpu.memory_space<vmem_shared>>
      tpu.enqueue_dma source(%arg10 : memref<64x128xf32, #tpu.memory_space<vmem>>) target(%dma_start3A_88 : memref<64x128xf32, #tpu.memory_space<vmem_shared>>) target_semaphore(%run_scoped3A : memref<!tpu.dma_semaphore, #tpu.memory_space<semaphore_mem>>)
      %dma_wait3A = arith.constant 0 : i32
      %dma_wait3A_89 = tpu.memref_slice %arg12[%add3A_22, %dma_wait3A] : memref<10240x128xf32, #tpu.memory_space<vmem_shared>> -> memref<64x128xf32, #tpu.memory_space<vmem_shared>>
      %dma_wait3A_90 = arith.constant 0 : i32
      %dma_wait3A_91 = tpu.memref_slice %arg12[%add3A_22, %dma_wait3A_90] : memref<10240x128xf32, #tpu.memory_space<vmem_shared>> -> memref<64x128xf32, #tpu.memory_space<vmem_shared>>
      tpu.wait_dma2 semaphore(%run_scoped3A : memref<!tpu.dma_semaphore, #tpu.memory_space<semaphore_mem>>) src(%arg10 : memref<64x128xf32, #tpu.memory_space<vmem>>) dst(%dma_wait3A_91 : memref<64x128xf32, #tpu.memory_space<vmem_shared>>)
      tpu.yield
    }) : () -> ()
    %add3A_23 = arith.constant 256 : i32
    %add3A_24 = arith.addi %mul3A_14, %add3A_23 : i32
    "tpu.region"() ({
      %run_scoped3A = tpu.sem_alloc : memref<!tpu.dma_semaphore, #tpu.memory_space<semaphore_mem>>
      %dma_start3A = arith.constant 0 : i32
      %dma_start3A_86 = tpu.memref_slice %arg12[%add3A_24, %dma_start3A] : memref<10240x128xf32, #tpu.memory_space<vmem_shared>> -> memref<64x128xf32, #tpu.memory_space<vmem_shared>>
      %dma_start3A_87 = arith.constant 0 : i32
      %dma_start3A_88 = tpu.memref_slice %arg12[%add3A_24, %dma_start3A_87] : memref<10240x128xf32, #tpu.memory_space<vmem_shared>> -> memref<64x128xf32, #tpu.memory_space<vmem_shared>>
      tpu.enqueue_dma source(%arg10 : memref<64x128xf32, #tpu.memory_space<vmem>>) target(%dma_start3A_88 : memref<64x128xf32, #tpu.memory_space<vmem_shared>>) target_semaphore(%run_scoped3A : memref<!tpu.dma_semaphore, #tpu.memory_space<semaphore_mem>>)
      %dma_wait3A = arith.constant 0 : i32
      %dma_wait3A_89 = tpu.memref_slice %arg12[%add3A_24, %dma_wait3A] : memref<10240x128xf32, #tpu.memory_space<vmem_shared>> -> memref<64x128xf32, #tpu.memory_space<vmem_shared>>
      %dma_wait3A_90 = arith.constant 0 : i32
      %dma_wait3A_91 = tpu.memref_slice %arg12[%add3A_24, %dma_wait3A_90] : memref<10240x128xf32, #tpu.memory_space<vmem_shared>> -> memref<64x128xf32, #tpu.memory_space<vmem_shared>>
      tpu.wait_dma2 semaphore(%run_scoped3A : memref<!tpu.dma_semaphore, #tpu.memory_space<semaphore_mem>>) src(%arg10 : memref<64x128xf32, #tpu.memory_space<vmem>>) dst(%dma_wait3A_91 : memref<64x128xf32, #tpu.memory_space<vmem_shared>>)
      tpu.yield
    }) : () -> ()
    %add3A_25 = arith.constant 320 : i32
    %add3A_26 = arith.addi %mul3A_14, %add3A_25 : i32
    "tpu.region"() ({
      %run_scoped3A = tpu.sem_alloc : memref<!tpu.dma_semaphore, #tpu.memory_space<semaphore_mem>>
      %dma_start3A = arith.constant 0 : i32
      %dma_start3A_86 = tpu.memref_slice %arg12[%add3A_26, %dma_start3A] : memref<10240x128xf32, #tpu.memory_space<vmem_shared>> -> memref<64x128xf32, #tpu.memory_space<vmem_shared>>
      %dma_start3A_87 = arith.constant 0 : i32
      %dma_start3A_88 = tpu.memref_slice %arg12[%add3A_26, %dma_start3A_87] : memref<10240x128xf32, #tpu.memory_space<vmem_shared>> -> memref<64x128xf32, #tpu.memory_space<vmem_shared>>
      tpu.enqueue_dma source(%arg10 : memref<64x128xf32, #tpu.memory_space<vmem>>) target(%dma_start3A_88 : memref<64x128xf32, #tpu.memory_space<vmem_shared>>) target_semaphore(%run_scoped3A : memref<!tpu.dma_semaphore, #tpu.memory_space<semaphore_mem>>)
      %dma_wait3A = arith.constant 0 : i32
      %dma_wait3A_89 = tpu.memref_slice %arg12[%add3A_26, %dma_wait3A] : memref<10240x128xf32, #tpu.memory_space<vmem_shared>> -> memref<64x128xf32, #tpu.memory_space<vmem_shared>>
      %dma_wait3A_90 = arith.constant 0 : i32
      %dma_wait3A_91 = tpu.memref_slice %arg12[%add3A_26, %dma_wait3A_90] : memref<10240x128xf32, #tpu.memory_space<vmem_shared>> -> memref<64x128xf32, #tpu.memory_space<vmem_shared>>
      tpu.wait_dma2 semaphore(%run_scoped3A : memref<!tpu.dma_semaphore, #tpu.memory_space<semaphore_mem>>) src(%arg10 : memref<64x128xf32, #tpu.memory_space<vmem>>) dst(%dma_wait3A_91 : memref<64x128xf32, #tpu.memory_space<vmem_shared>>)
      tpu.yield
    }) : () -> ()
    %add3A_27 = arith.constant 384 : i32
    %add3A_28 = arith.addi %mul3A_14, %add3A_27 : i32
    "tpu.region"() ({
      %run_scoped3A = tpu.sem_alloc : memref<!tpu.dma_semaphore, #tpu.memory_space<semaphore_mem>>
      %dma_start3A = arith.constant 0 : i32
      %dma_start3A_86 = tpu.memref_slice %arg12[%add3A_28, %dma_start3A] : memref<10240x128xf32, #tpu.memory_space<vmem_shared>> -> memref<64x128xf32, #tpu.memory_space<vmem_shared>>
      %dma_start3A_87 = arith.constant 0 : i32
      %dma_start3A_88 = tpu.memref_slice %arg12[%add3A_28, %dma_start3A_87] : memref<10240x128xf32, #tpu.memory_space<vmem_shared>> -> memref<64x128xf32, #tpu.memory_space<vmem_shared>>
      tpu.enqueue_dma source(%arg10 : memref<64x128xf32, #tpu.memory_space<vmem>>) target(%dma_start3A_88 : memref<64x128xf32, #tpu.memory_space<vmem_shared>>) target_semaphore(%run_scoped3A : memref<!tpu.dma_semaphore, #tpu.memory_space<semaphore_mem>>)
      %dma_wait3A = arith.constant 0 : i32
      %dma_wait3A_89 = tpu.memref_slice %arg12[%add3A_28, %dma_wait3A] : memref<10240x128xf32, #tpu.memory_space<vmem_shared>> -> memref<64x128xf32, #tpu.memory_space<vmem_shared>>
      %dma_wait3A_90 = arith.constant 0 : i32
      %dma_wait3A_91 = tpu.memref_slice %arg12[%add3A_28, %dma_wait3A_90] : memref<10240x128xf32, #tpu.memory_space<vmem_shared>> -> memref<64x128xf32, #tpu.memory_space<vmem_shared>>
      tpu.wait_dma2 semaphore(%run_scoped3A : memref<!tpu.dma_semaphore, #tpu.memory_space<semaphore_mem>>) src(%arg10 : memref<64x128xf32, #tpu.memory_space<vmem>>) dst(%dma_wait3A_91 : memref<64x128xf32, #tpu.memory_space<vmem_shared>>)
      tpu.yield
    }) : () -> ()
    %add3A_29 = arith.constant 448 : i32
    %add3A_30 = arith.addi %mul3A_14, %add3A_29 : i32
    "tpu.region"() ({
      %run_scoped3A = tpu.sem_alloc : memref<!tpu.dma_semaphore, #tpu.memory_space<semaphore_mem>>
      %dma_start3A = arith.constant 0 : i32
      %dma_start3A_86 = tpu.memref_slice %arg12[%add3A_30, %dma_start3A] : memref<10240x128xf32, #tpu.memory_space<vmem_shared>> -> memref<64x128xf32, #tpu.memory_space<vmem_shared>>
      %dma_start3A_87 = arith.constant 0 : i32
      %dma_start3A_88 = tpu.memref_slice %arg12[%add3A_30, %dma_start3A_87] : memref<10240x128xf32, #tpu.memory_space<vmem_shared>> -> memref<64x128xf32, #tpu.memory_space<vmem_shared>>
      tpu.enqueue_dma source(%arg10 : memref<64x128xf32, #tpu.memory_space<vmem>>) target(%dma_start3A_88 : memref<64x128xf32, #tpu.memory_space<vmem_shared>>) target_semaphore(%run_scoped3A : memref<!tpu.dma_semaphore, #tpu.memory_space<semaphore_mem>>)
      %dma_wait3A = arith.constant 0 : i32
      %dma_wait3A_89 = tpu.memref_slice %arg12[%add3A_30, %dma_wait3A] : memref<10240x128xf32, #tpu.memory_space<vmem_shared>> -> memref<64x128xf32, #tpu.memory_space<vmem_shared>>
      %dma_wait3A_90 = arith.constant 0 : i32
      %dma_wait3A_91 = tpu.memref_slice %arg12[%add3A_30, %dma_wait3A_90] : memref<10240x128xf32, #tpu.memory_space<vmem_shared>> -> memref<64x128xf32, #tpu.memory_space<vmem_shared>>
      tpu.wait_dma2 semaphore(%run_scoped3A : memref<!tpu.dma_semaphore, #tpu.memory_space<semaphore_mem>>) src(%arg10 : memref<64x128xf32, #tpu.memory_space<vmem>>) dst(%dma_wait3A_91 : memref<64x128xf32, #tpu.memory_space<vmem_shared>>)
      tpu.yield
    }) : () -> ()
    %add3A_31 = arith.constant 512 : i32
    %add3A_32 = arith.addi %mul3A_14, %add3A_31 : i32
    "tpu.region"() ({
      %run_scoped3A = tpu.sem_alloc : memref<!tpu.dma_semaphore, #tpu.memory_space<semaphore_mem>>
      %dma_start3A = arith.constant 0 : i32
      %dma_start3A_86 = tpu.memref_slice %arg12[%add3A_32, %dma_start3A] : memref<10240x128xf32, #tpu.memory_space<vmem_shared>> -> memref<64x128xf32, #tpu.memory_space<vmem_shared>>
      %dma_start3A_87 = arith.constant 0 : i32
      %dma_start3A_88 = tpu.memref_slice %arg12[%add3A_32, %dma_start3A_87] : memref<10240x128xf32, #tpu.memory_space<vmem_shared>> -> memref<64x128xf32, #tpu.memory_space<vmem_shared>>
      tpu.enqueue_dma source(%arg10 : memref<64x128xf32, #tpu.memory_space<vmem>>) target(%dma_start3A_88 : memref<64x128xf32, #tpu.memory_space<vmem_shared>>) target_semaphore(%run_scoped3A : memref<!tpu.dma_semaphore, #tpu.memory_space<semaphore_mem>>)
      %dma_wait3A = arith.constant 0 : i32
      %dma_wait3A_89 = tpu.memref_slice %arg12[%add3A_32, %dma_wait3A] : memref<10240x128xf32, #tpu.memory_space<vmem_shared>> -> memref<64x128xf32, #tpu.memory_space<vmem_shared>>
      %dma_wait3A_90 = arith.constant 0 : i32
      %dma_wait3A_91 = tpu.memref_slice %arg12[%add3A_32, %dma_wait3A_90] : memref<10240x128xf32, #tpu.memory_space<vmem_shared>> -> memref<64x128xf32, #tpu.memory_space<vmem_shared>>
      tpu.wait_dma2 semaphore(%run_scoped3A : memref<!tpu.dma_semaphore, #tpu.memory_space<semaphore_mem>>) src(%arg10 : memref<64x128xf32, #tpu.memory_space<vmem>>) dst(%dma_wait3A_91 : memref<64x128xf32, #tpu.memory_space<vmem_shared>>)
      tpu.yield
    }) : () -> ()
    %add3A_33 = arith.constant 576 : i32
    %add3A_34 = arith.addi %mul3A_14, %add3A_33 : i32
    "tpu.region"() ({
      %run_scoped3A = tpu.sem_alloc : memref<!tpu.dma_semaphore, #tpu.memory_space<semaphore_mem>>
      %dma_start3A = arith.constant 0 : i32
      %dma_start3A_86 = tpu.memref_slice %arg12[%add3A_34, %dma_start3A] : memref<10240x128xf32, #tpu.memory_space<vmem_shared>> -> memref<64x128xf32, #tpu.memory_space<vmem_shared>>
      %dma_start3A_87 = arith.constant 0 : i32
      %dma_start3A_88 = tpu.memref_slice %arg12[%add3A_34, %dma_start3A_87] : memref<10240x128xf32, #tpu.memory_space<vmem_shared>> -> memref<64x128xf32, #tpu.memory_space<vmem_shared>>
      tpu.enqueue_dma source(%arg10 : memref<64x128xf32, #tpu.memory_space<vmem>>) target(%dma_start3A_88 : memref<64x128xf32, #tpu.memory_space<vmem_shared>>) target_semaphore(%run_scoped3A : memref<!tpu.dma_semaphore, #tpu.memory_space<semaphore_mem>>)
      %dma_wait3A = arith.constant 0 : i32
      %dma_wait3A_89 = tpu.memref_slice %arg12[%add3A_34, %dma_wait3A] : memref<10240x128xf32, #tpu.memory_space<vmem_shared>> -> memref<64x128xf32, #tpu.memory_space<vmem_shared>>
      %dma_wait3A_90 = arith.constant 0 : i32
      %dma_wait3A_91 = tpu.memref_slice %arg12[%add3A_34, %dma_wait3A_90] : memref<10240x128xf32, #tpu.memory_space<vmem_shared>> -> memref<64x128xf32, #tpu.memory_space<vmem_shared>>
      tpu.wait_dma2 semaphore(%run_scoped3A : memref<!tpu.dma_semaphore, #tpu.memory_space<semaphore_mem>>) src(%arg10 : memref<64x128xf32, #tpu.memory_space<vmem>>) dst(%dma_wait3A_91 : memref<64x128xf32, #tpu.memory_space<vmem_shared>>)
      tpu.yield
    }) : () -> ()
    %barrier3A = arith.constant 0 : index
    tpu.barrier barrier_id(%barrier3A)
    %broadcast_in_dim3A_35 = arith.constant 1.000000e+00 : f32
    %broadcast_in_dim3A_36 = vector.broadcast %broadcast_in_dim3A_35 : f32 to vector<16xf32>
    %mul3A_37 = arith.constant 10112 : i32
    %mul3A_38 = arith.muli %add3A, %mul3A_37 : i32
    %scan3A_39 = arith.constant 0 : i32
    %scan3A_40 = arith.constant 0 : i32
    %scan3A_41 = arith.constant 79 : i32
    %scan3A_42 = arith.addi %scan3A_40, %scan3A_41 : i32
    %scan3A_43 = arith.constant 1 : i32
    scf.for %scan3A_86 = %scan3A_40 to %scan3A_42 step %scan3A_43  : i32 {
      %mul3A_87 = arith.constant 128 : i32
      %mul3A_88 = arith.muli %scan3A_86, %mul3A_87 : i32
      %add3A_89 = arith.addi %mul3A_38, %mul3A_88 : i32
      %multiple_of3A = tpu.assume_multiple %add3A_89, 8 : i32
      "tpu.region"() ({
        %run_scoped3A = tpu.sem_alloc : memref<!tpu.dma_semaphore, #tpu.memory_space<semaphore_mem>>
        %dma_start3A_109 = tpu.memref_slice %arg3[%multiple_of3A] : memref<323584xi32, #tpu.memory_space<hbm>> -> memref<128xi32, #tpu.memory_space<hbm>>
        %dma_start3A_110 = tpu.memref_slice %arg3[%multiple_of3A] : memref<323584xi32, #tpu.memory_space<hbm>> -> memref<128xi32, #tpu.memory_space<hbm>>
        tpu.enqueue_dma source(%dma_start3A_110 : memref<128xi32, #tpu.memory_space<hbm>>) target(%arg7 : memref<128xi32, #tpu.memory_space<vmem>>) target_semaphore(%run_scoped3A : memref<!tpu.dma_semaphore, #tpu.memory_space<semaphore_mem>>)
        %dma_wait3A_111 = tpu.memref_slice %arg3[%multiple_of3A] : memref<323584xi32, #tpu.memory_space<hbm>> -> memref<128xi32, #tpu.memory_space<hbm>>
        %dma_wait3A_112 = tpu.memref_slice %arg3[%multiple_of3A] : memref<323584xi32, #tpu.memory_space<hbm>> -> memref<128xi32, #tpu.memory_space<hbm>>
        tpu.wait_dma2 semaphore(%run_scoped3A : memref<!tpu.dma_semaphore, #tpu.memory_space<semaphore_mem>>) src(%dma_wait3A_112 : memref<128xi32, #tpu.memory_space<hbm>>) dst(%arg7 : memref<128xi32, #tpu.memory_space<vmem>>)
        tpu.yield
      }) : () -> ()
      "tpu.region"() ({
        %run_scoped3A = tpu.sem_alloc : memref<!tpu.dma_semaphore, #tpu.memory_space<semaphore_mem>>
        %dma_start3A_109 = tpu.memref_slice %arg4[%multiple_of3A] : memref<323584xi32, #tpu.memory_space<hbm>> -> memref<128xi32, #tpu.memory_space<hbm>>
        %dma_start3A_110 = tpu.memref_slice %arg4[%multiple_of3A] : memref<323584xi32, #tpu.memory_space<hbm>> -> memref<128xi32, #tpu.memory_space<hbm>>
        tpu.enqueue_dma source(%dma_start3A_110 : memref<128xi32, #tpu.memory_space<hbm>>) target(%arg8 : memref<128xi32, #tpu.memory_space<vmem>>) target_semaphore(%run_scoped3A : memref<!tpu.dma_semaphore, #tpu.memory_space<semaphore_mem>>)
        %dma_wait3A_111 = tpu.memref_slice %arg4[%multiple_of3A] : memref<323584xi32, #tpu.memory_space<hbm>> -> memref<128xi32, #tpu.memory_space<hbm>>
        %dma_wait3A_112 = tpu.memref_slice %arg4[%multiple_of3A] : memref<323584xi32, #tpu.memory_space<hbm>> -> memref<128xi32, #tpu.memory_space<hbm>>
        tpu.wait_dma2 semaphore(%run_scoped3A : memref<!tpu.dma_semaphore, #tpu.memory_space<semaphore_mem>>) src(%dma_wait3A_112 : memref<128xi32, #tpu.memory_space<hbm>>) dst(%arg8 : memref<128xi32, #tpu.memory_space<vmem>>)
        tpu.yield
      }) : () -> ()
      %dma_start3A = arith.constant 0 : i32
      %dma_start3A_90 = arith.constant 0 : i32
      %dma_start3A_91 = tpu.memref_slice %arg2[%dma_start3A, %dma_start3A_90] : memref<10240x128xf32, #tpu.memory_space<hbm>> -> memref<10240x128xf32, #tpu.memory_space<hbm>>
      tpu.enqueue_indirect_dma source(%dma_start3A_91 : memref<10240x128xf32, #tpu.memory_space<hbm>>) target(%arg9 : memref<128x128xf32, #tpu.memory_space<vmem>>) offsets(%arg7 : memref<128xi32, #tpu.memory_space<vmem>>) semaphore(%arg13 : memref<!tpu.dma_semaphore, #tpu.memory_space<semaphore_mem>>)
      %dma_wait3A = arith.constant 0 : i32
      %dma_wait3A_92 = arith.constant 0 : i32
      %dma_wait3A_93 = tpu.memref_slice %arg2[%dma_wait3A, %dma_wait3A_92] : memref<10240x128xf32, #tpu.memory_space<hbm>> -> memref<10240x128xf32, #tpu.memory_space<hbm>>
      tpu.wait_indirect_dma semaphore(%arg13 : memref<!tpu.dma_semaphore, #tpu.memory_space<semaphore_mem>>) src(%dma_wait3A_93 : memref<10240x128xf32, #tpu.memory_space<hbm>>) dst(%arg9 : memref<128x128xf32, #tpu.memory_space<vmem>>)
      "tpu.region"() ({
        %run_scoped3A = tpu.sem_alloc : memref<!tpu.dma_semaphore, #tpu.memory_space<semaphore_mem>>
        %dma_start3A_109 = arith.constant 0 : i32
        %dma_start3A_110 = arith.constant 0 : i32
        %dma_start3A_111 = tpu.memref_slice %arg12[%dma_start3A_109, %dma_start3A_110] : memref<10240x128xf32, #tpu.memory_space<vmem_shared>> -> memref<10240x128xf32, #tpu.memory_space<vmem_shared>>
        tpu.enqueue_indirect_dma source(%arg9 : memref<128x128xf32, #tpu.memory_space<vmem>>) target(%dma_start3A_111 : memref<10240x128xf32, #tpu.memory_space<vmem_shared>>) offsets(%arg8 : memref<128xi32, #tpu.memory_space<vmem>>) semaphore(%run_scoped3A : memref<!tpu.dma_semaphore, #tpu.memory_space<semaphore_mem>>) {add = true}
        %dma_wait3A_112 = arith.constant 0 : i32
        %dma_wait3A_113 = arith.constant 0 : i32
        %dma_wait3A_114 = tpu.memref_slice %arg12[%dma_wait3A_112, %dma_wait3A_113] : memref<10240x128xf32, #tpu.memory_space<vmem_shared>> -> memref<10240x128xf32, #tpu.memory_space<vmem_shared>>
        tpu.wait_indirect_dma semaphore(%run_scoped3A : memref<!tpu.dma_semaphore, #tpu.memory_space<semaphore_mem>>) src(%arg9 : memref<128x128xf32, #tpu.memory_space<vmem>>) dst(%dma_wait3A_114 : memref<10240x128xf32, #tpu.memory_space<vmem_shared>>)
        tpu.yield
      }) : () -> ()
      %get3A = arith.constant 0 : index
      %get3A_94 = tpu.vector_load %arg8[%get3A] {strides = array<i32>} : memref<128xi32, #tpu.memory_space<vmem>>, vector<16xi32>,
      tpu.vector_store_idx %arg11[%get3A_94], %broadcast_in_dim3A_36 {add = true} : memref<10240xf32, #tpu.memory_space<vmem>>[vector<16xi32>], vector<16xf32>,
      %get3A_95 = arith.constant 16 : index
      %get3A_96 = tpu.vector_load %arg8[%get3A_95] {strides = array<i32>} : memref<128xi32, #tpu.memory_space<vmem>>, vector<16xi32>,
      tpu.vector_store_idx %arg11[%get3A_96], %broadcast_in_dim3A_36 {add = true} : memref<10240xf32, #tpu.memory_space<vmem>>[vector<16xi32>], vector<16xf32>,
      %get3A_97 = arith.constant 32 : index
      %get3A_98 = tpu.vector_load %arg8[%get3A_97] {strides = array<i32>} : memref<128xi32, #tpu.memory_space<vmem>>, vector<16xi32>,
      tpu.vector_store_idx %arg11[%get3A_98], %broadcast_in_dim3A_36 {add = true} : memref<10240xf32, #tpu.memory_space<vmem>>[vector<16xi32>], vector<16xf32>,
      %get3A_99 = arith.constant 48 : index
      %get3A_100 = tpu.vector_load %arg8[%get3A_99] {strides = array<i32>} : memref<128xi32, #tpu.memory_space<vmem>>, vector<16xi32>,
      tpu.vector_store_idx %arg11[%get3A_100], %broadcast_in_dim3A_36 {add = true} : memref<10240xf32, #tpu.memory_space<vmem>>[vector<16xi32>], vector<16xf32>,
      %get3A_101 = arith.constant 64 : index
      %get3A_102 = tpu.vector_load %arg8[%get3A_101] {strides = array<i32>} : memref<128xi32, #tpu.memory_space<vmem>>, vector<16xi32>,
      tpu.vector_store_idx %arg11[%get3A_102], %broadcast_in_dim3A_36 {add = true} : memref<10240xf32, #tpu.memory_space<vmem>>[vector<16xi32>], vector<16xf32>,
      %get3A_103 = arith.constant 80 : index
      %get3A_104 = tpu.vector_load %arg8[%get3A_103] {strides = array<i32>} : memref<128xi32, #tpu.memory_space<vmem>>, vector<16xi32>,
      tpu.vector_store_idx %arg11[%get3A_104], %broadcast_in_dim3A_36 {add = true} : memref<10240xf32, #tpu.memory_space<vmem>>[vector<16xi32>], vector<16xf32>,
      %get3A_105 = arith.constant 96 : index
      %get3A_106 = tpu.vector_load %arg8[%get3A_105] {strides = array<i32>} : memref<128xi32, #tpu.memory_space<vmem>>, vector<16xi32>,
      tpu.vector_store_idx %arg11[%get3A_106], %broadcast_in_dim3A_36 {add = true} : memref<10240xf32, #tpu.memory_space<vmem>>[vector<16xi32>], vector<16xf32>,
      %get3A_107 = arith.constant 112 : index
      %get3A_108 = tpu.vector_load %arg8[%get3A_107] {strides = array<i32>} : memref<128xi32, #tpu.memory_space<vmem>>, vector<16xi32>,
      tpu.vector_store_idx %arg11[%get3A_108], %broadcast_in_dim3A_36 {add = true} : memref<10240xf32, #tpu.memory_space<vmem>>[vector<16xi32>], vector<16xf32>,
    }
    %scan3A_44 = arith.constant 79 : i32
    %barrier3A_45 = arith.constant 0 : index
    tpu.barrier barrier_id(%barrier3A_45)
    %add3A_46 = arith.constant 0 : i32
    %add3A_47 = arith.addi %mul3A_14, %add3A_46 : i32
    %add3A_48 = arith.constant 0 : i32
    %add3A_49 = arith.addi %mul3A_14, %add3A_48 : i32
    "tpu.region"() ({
      %run_scoped3A = tpu.sem_alloc : memref<!tpu.dma_semaphore, #tpu.memory_space<semaphore_mem>>
      %dma_start3A = arith.constant 0 : i32
      %dma_start3A_86 = tpu.memref_slice %arg5[%arg0, %add3A_49, %dma_start3A] : memref<2x10240x128xf32, #tpu.memory_space<hbm>> -> memref<1x64x128xf32, #tpu.memory_space<hbm>>
      %dma_start3A_87 = tpu.memref_squeeze %dma_start3A_86 : memref<1x64x128xf32, #tpu.memory_space<hbm>> -> memref<64x128xf32, #tpu.memory_space<hbm>>
      %dma_start3A_88 = arith.constant 0 : i32
      %dma_start3A_89 = tpu.memref_slice %arg12[%add3A_47, %dma_start3A_88] : memref<10240x128xf32, #tpu.memory_space<vmem_shared>> -> memref<64x128xf32, #tpu.memory_space<vmem_shared>>
      tpu.enqueue_dma source(%dma_start3A_89 : memref<64x128xf32, #tpu.memory_space<vmem_shared>>) target(%dma_start3A_87 : memref<64x128xf32, #tpu.memory_space<hbm>>) target_semaphore(%run_scoped3A : memref<!tpu.dma_semaphore, #tpu.memory_space<semaphore_mem>>)
      %dma_wait3A = arith.constant 0 : i32
      %dma_wait3A_90 = tpu.memref_slice %arg5[%arg0, %add3A_49, %dma_wait3A] : memref<2x10240x128xf32, #tpu.memory_space<hbm>> -> memref<1x64x128xf32, #tpu.memory_space<hbm>>
      %dma_wait3A_91 = tpu.memref_squeeze %dma_wait3A_90 : memref<1x64x128xf32, #tpu.memory_space<hbm>> -> memref<64x128xf32, #tpu.memory_space<hbm>>
      %dma_wait3A_92 = arith.constant 0 : i32
      %dma_wait3A_93 = tpu.memref_slice %arg12[%add3A_47, %dma_wait3A_92] : memref<10240x128xf32, #tpu.memory_space<vmem_shared>> -> memref<64x128xf32, #tpu.memory_space<vmem_shared>>
      tpu.wait_dma2 semaphore(%run_scoped3A : memref<!tpu.dma_semaphore, #tpu.memory_space<semaphore_mem>>) src(%dma_wait3A_93 : memref<64x128xf32, #tpu.memory_space<vmem_shared>>) dst(%dma_wait3A_91 : memref<64x128xf32, #tpu.memory_space<hbm>>)
      tpu.yield
    }) : () -> ()
    %add3A_50 = arith.constant 64 : i32
    %add3A_51 = arith.addi %mul3A_14, %add3A_50 : i32
    %add3A_52 = arith.constant 64 : i32
    %add3A_53 = arith.addi %mul3A_14, %add3A_52 : i32
    "tpu.region"() ({
      %run_scoped3A = tpu.sem_alloc : memref<!tpu.dma_semaphore, #tpu.memory_space<semaphore_mem>>
      %dma_start3A = arith.constant 0 : i32
      %dma_start3A_86 = tpu.memref_slice %arg5[%arg0, %add3A_53, %dma_start3A] : memref<2x10240x128xf32, #tpu.memory_space<hbm>> -> memref<1x64x128xf32, #tpu.memory_space<hbm>>
      %dma_start3A_87 = tpu.memref_squeeze %dma_start3A_86 : memref<1x64x128xf32, #tpu.memory_space<hbm>> -> memref<64x128xf32, #tpu.memory_space<hbm>>
      %dma_start3A_88 = arith.constant 0 : i32
      %dma_start3A_89 = tpu.memref_slice %arg12[%add3A_51, %dma_start3A_88] : memref<10240x128xf32, #tpu.memory_space<vmem_shared>> -> memref<64x128xf32, #tpu.memory_space<vmem_shared>>
      tpu.enqueue_dma source(%dma_start3A_89 : memref<64x128xf32, #tpu.memory_space<vmem_shared>>) target(%dma_start3A_87 : memref<64x128xf32, #tpu.memory_space<hbm>>) target_semaphore(%run_scoped3A : memref<!tpu.dma_semaphore, #tpu.memory_space<semaphore_mem>>)
      %dma_wait3A = arith.constant 0 : i32
      %dma_wait3A_90 = tpu.memref_slice %arg5[%arg0, %add3A_53, %dma_wait3A] : memref<2x10240x128xf32, #tpu.memory_space<hbm>> -> memref<1x64x128xf32, #tpu.memory_space<hbm>>
      %dma_wait3A_91 = tpu.memref_squeeze %dma_wait3A_90 : memref<1x64x128xf32, #tpu.memory_space<hbm>> -> memref<64x128xf32, #tpu.memory_space<hbm>>
      %dma_wait3A_92 = arith.constant 0 : i32
      %dma_wait3A_93 = tpu.memref_slice %arg12[%add3A_51, %dma_wait3A_92] : memref<10240x128xf32, #tpu.memory_space<vmem_shared>> -> memref<64x128xf32, #tpu.memory_space<vmem_shared>>
      tpu.wait_dma2 semaphore(%run_scoped3A : memref<!tpu.dma_semaphore, #tpu.memory_space<semaphore_mem>>) src(%dma_wait3A_93 : memref<64x128xf32, #tpu.memory_space<vmem_shared>>) dst(%dma_wait3A_91 : memref<64x128xf32, #tpu.memory_space<hbm>>)
      tpu.yield
    }) : () -> ()
    %add3A_54 = arith.constant 128 : i32
    %add3A_55 = arith.addi %mul3A_14, %add3A_54 : i32
    %add3A_56 = arith.constant 128 : i32
    %add3A_57 = arith.addi %mul3A_14, %add3A_56 : i32
    "tpu.region"() ({
      %run_scoped3A = tpu.sem_alloc : memref<!tpu.dma_semaphore, #tpu.memory_space<semaphore_mem>>
      %dma_start3A = arith.constant 0 : i32
      %dma_start3A_86 = tpu.memref_slice %arg5[%arg0, %add3A_57, %dma_start3A] : memref<2x10240x128xf32, #tpu.memory_space<hbm>> -> memref<1x64x128xf32, #tpu.memory_space<hbm>>
      %dma_start3A_87 = tpu.memref_squeeze %dma_start3A_86 : memref<1x64x128xf32, #tpu.memory_space<hbm>> -> memref<64x128xf32, #tpu.memory_space<hbm>>
      %dma_start3A_88 = arith.constant 0 : i32
      %dma_start3A_89 = tpu.memref_slice %arg12[%add3A_55, %dma_start3A_88] : memref<10240x128xf32, #tpu.memory_space<vmem_shared>> -> memref<64x128xf32, #tpu.memory_space<vmem_shared>>
      tpu.enqueue_dma source(%dma_start3A_89 : memref<64x128xf32, #tpu.memory_space<vmem_shared>>) target(%dma_start3A_87 : memref<64x128xf32, #tpu.memory_space<hbm>>) target_semaphore(%run_scoped3A : memref<!tpu.dma_semaphore, #tpu.memory_space<semaphore_mem>>)
      %dma_wait3A = arith.constant 0 : i32
      %dma_wait3A_90 = tpu.memref_slice %arg5[%arg0, %add3A_57, %dma_wait3A] : memref<2x10240x128xf32, #tpu.memory_space<hbm>> -> memref<1x64x128xf32, #tpu.memory_space<hbm>>
      %dma_wait3A_91 = tpu.memref_squeeze %dma_wait3A_90 : memref<1x64x128xf32, #tpu.memory_space<hbm>> -> memref<64x128xf32, #tpu.memory_space<hbm>>
      %dma_wait3A_92 = arith.constant 0 : i32
      %dma_wait3A_93 = tpu.memref_slice %arg12[%add3A_55, %dma_wait3A_92] : memref<10240x128xf32, #tpu.memory_space<vmem_shared>> -> memref<64x128xf32, #tpu.memory_space<vmem_shared>>
      tpu.wait_dma2 semaphore(%run_scoped3A : memref<!tpu.dma_semaphore, #tpu.memory_space<semaphore_mem>>) src(%dma_wait3A_93 : memref<64x128xf32, #tpu.memory_space<vmem_shared>>) dst(%dma_wait3A_91 : memref<64x128xf32, #tpu.memory_space<hbm>>)
      tpu.yield
    }) : () -> ()
    %add3A_58 = arith.constant 192 : i32
    %add3A_59 = arith.addi %mul3A_14, %add3A_58 : i32
    %add3A_60 = arith.constant 192 : i32
    %add3A_61 = arith.addi %mul3A_14, %add3A_60 : i32
    "tpu.region"() ({
      %run_scoped3A = tpu.sem_alloc : memref<!tpu.dma_semaphore, #tpu.memory_space<semaphore_mem>>
      %dma_start3A = arith.constant 0 : i32
      %dma_start3A_86 = tpu.memref_slice %arg5[%arg0, %add3A_61, %dma_start3A] : memref<2x10240x128xf32, #tpu.memory_space<hbm>> -> memref<1x64x128xf32, #tpu.memory_space<hbm>>
      %dma_start3A_87 = tpu.memref_squeeze %dma_start3A_86 : memref<1x64x128xf32, #tpu.memory_space<hbm>> -> memref<64x128xf32, #tpu.memory_space<hbm>>
      %dma_start3A_88 = arith.constant 0 : i32
      %dma_start3A_89 = tpu.memref_slice %arg12[%add3A_59, %dma_start3A_88] : memref<10240x128xf32, #tpu.memory_space<vmem_shared>> -> memref<64x128xf32, #tpu.memory_space<vmem_shared>>
      tpu.enqueue_dma source(%dma_start3A_89 : memref<64x128xf32, #tpu.memory_space<vmem_shared>>) target(%dma_start3A_87 : memref<64x128xf32, #tpu.memory_space<hbm>>) target_semaphore(%run_scoped3A : memref<!tpu.dma_semaphore, #tpu.memory_space<semaphore_mem>>)
      %dma_wait3A = arith.constant 0 : i32
      %dma_wait3A_90 = tpu.memref_slice %arg5[%arg0, %add3A_61, %dma_wait3A] : memref<2x10240x128xf32, #tpu.memory_space<hbm>> -> memref<1x64x128xf32, #tpu.memory_space<hbm>>
      %dma_wait3A_91 = tpu.memref_squeeze %dma_wait3A_90 : memref<1x64x128xf32, #tpu.memory_space<hbm>> -> memref<64x128xf32, #tpu.memory_space<hbm>>
      %dma_wait3A_92 = arith.constant 0 : i32
      %dma_wait3A_93 = tpu.memref_slice %arg12[%add3A_59, %dma_wait3A_92] : memref<10240x128xf32, #tpu.memory_space<vmem_shared>> -> memref<64x128xf32, #tpu.memory_space<vmem_shared>>
      tpu.wait_dma2 semaphore(%run_scoped3A : memref<!tpu.dma_semaphore, #tpu.memory_space<semaphore_mem>>) src(%dma_wait3A_93 : memref<64x128xf32, #tpu.memory_space<vmem_shared>>) dst(%dma_wait3A_91 : memref<64x128xf32, #tpu.memory_space<hbm>>)
      tpu.yield
    }) : () -> ()
    %add3A_62 = arith.constant 256 : i32
    %add3A_63 = arith.addi %mul3A_14, %add3A_62 : i32
    %add3A_64 = arith.constant 256 : i32
    %add3A_65 = arith.addi %mul3A_14, %add3A_64 : i32
    "tpu.region"() ({
      %run_scoped3A = tpu.sem_alloc : memref<!tpu.dma_semaphore, #tpu.memory_space<semaphore_mem>>
      %dma_start3A = arith.constant 0 : i32
      %dma_start3A_86 = tpu.memref_slice %arg5[%arg0, %add3A_65, %dma_start3A] : memref<2x10240x128xf32, #tpu.memory_space<hbm>> -> memref<1x64x128xf32, #tpu.memory_space<hbm>>
      %dma_start3A_87 = tpu.memref_squeeze %dma_start3A_86 : memref<1x64x128xf32, #tpu.memory_space<hbm>> -> memref<64x128xf32, #tpu.memory_space<hbm>>
      %dma_start3A_88 = arith.constant 0 : i32
      %dma_start3A_89 = tpu.memref_slice %arg12[%add3A_63, %dma_start3A_88] : memref<10240x128xf32, #tpu.memory_space<vmem_shared>> -> memref<64x128xf32, #tpu.memory_space<vmem_shared>>
      tpu.enqueue_dma source(%dma_start3A_89 : memref<64x128xf32, #tpu.memory_space<vmem_shared>>) target(%dma_start3A_87 : memref<64x128xf32, #tpu.memory_space<hbm>>) target_semaphore(%run_scoped3A : memref<!tpu.dma_semaphore, #tpu.memory_space<semaphore_mem>>)
      %dma_wait3A = arith.constant 0 : i32
      %dma_wait3A_90 = tpu.memref_slice %arg5[%arg0, %add3A_65, %dma_wait3A] : memref<2x10240x128xf32, #tpu.memory_space<hbm>> -> memref<1x64x128xf32, #tpu.memory_space<hbm>>
      %dma_wait3A_91 = tpu.memref_squeeze %dma_wait3A_90 : memref<1x64x128xf32, #tpu.memory_space<hbm>> -> memref<64x128xf32, #tpu.memory_space<hbm>>
      %dma_wait3A_92 = arith.constant 0 : i32
      %dma_wait3A_93 = tpu.memref_slice %arg12[%add3A_63, %dma_wait3A_92] : memref<10240x128xf32, #tpu.memory_space<vmem_shared>> -> memref<64x128xf32, #tpu.memory_space<vmem_shared>>
      tpu.wait_dma2 semaphore(%run_scoped3A : memref<!tpu.dma_semaphore, #tpu.memory_space<semaphore_mem>>) src(%dma_wait3A_93 : memref<64x128xf32, #tpu.memory_space<vmem_shared>>) dst(%dma_wait3A_91 : memref<64x128xf32, #tpu.memory_space<hbm>>)
      tpu.yield
    }) : () -> ()
    %add3A_66 = arith.constant 320 : i32
    %add3A_67 = arith.addi %mul3A_14, %add3A_66 : i32
    %add3A_68 = arith.constant 320 : i32
    %add3A_69 = arith.addi %mul3A_14, %add3A_68 : i32
    "tpu.region"() ({
      %run_scoped3A = tpu.sem_alloc : memref<!tpu.dma_semaphore, #tpu.memory_space<semaphore_mem>>
      %dma_start3A = arith.constant 0 : i32
      %dma_start3A_86 = tpu.memref_slice %arg5[%arg0, %add3A_69, %dma_start3A] : memref<2x10240x128xf32, #tpu.memory_space<hbm>> -> memref<1x64x128xf32, #tpu.memory_space<hbm>>
      %dma_start3A_87 = tpu.memref_squeeze %dma_start3A_86 : memref<1x64x128xf32, #tpu.memory_space<hbm>> -> memref<64x128xf32, #tpu.memory_space<hbm>>
      %dma_start3A_88 = arith.constant 0 : i32
      %dma_start3A_89 = tpu.memref_slice %arg12[%add3A_67, %dma_start3A_88] : memref<10240x128xf32, #tpu.memory_space<vmem_shared>> -> memref<64x128xf32, #tpu.memory_space<vmem_shared>>
      tpu.enqueue_dma source(%dma_start3A_89 : memref<64x128xf32, #tpu.memory_space<vmem_shared>>) target(%dma_start3A_87 : memref<64x128xf32, #tpu.memory_space<hbm>>) target_semaphore(%run_scoped3A : memref<!tpu.dma_semaphore, #tpu.memory_space<semaphore_mem>>)
      %dma_wait3A = arith.constant 0 : i32
      %dma_wait3A_90 = tpu.memref_slice %arg5[%arg0, %add3A_69, %dma_wait3A] : memref<2x10240x128xf32, #tpu.memory_space<hbm>> -> memref<1x64x128xf32, #tpu.memory_space<hbm>>
      %dma_wait3A_91 = tpu.memref_squeeze %dma_wait3A_90 : memref<1x64x128xf32, #tpu.memory_space<hbm>> -> memref<64x128xf32, #tpu.memory_space<hbm>>
      %dma_wait3A_92 = arith.constant 0 : i32
      %dma_wait3A_93 = tpu.memref_slice %arg12[%add3A_67, %dma_wait3A_92] : memref<10240x128xf32, #tpu.memory_space<vmem_shared>> -> memref<64x128xf32, #tpu.memory_space<vmem_shared>>
      tpu.wait_dma2 semaphore(%run_scoped3A : memref<!tpu.dma_semaphore, #tpu.memory_space<semaphore_mem>>) src(%dma_wait3A_93 : memref<64x128xf32, #tpu.memory_space<vmem_shared>>) dst(%dma_wait3A_91 : memref<64x128xf32, #tpu.memory_space<hbm>>)
      tpu.yield
    }) : () -> ()
    %add3A_70 = arith.constant 384 : i32
    %add3A_71 = arith.addi %mul3A_14, %add3A_70 : i32
    %add3A_72 = arith.constant 384 : i32
    %add3A_73 = arith.addi %mul3A_14, %add3A_72 : i32
    "tpu.region"() ({
      %run_scoped3A = tpu.sem_alloc : memref<!tpu.dma_semaphore, #tpu.memory_space<semaphore_mem>>
      %dma_start3A = arith.constant 0 : i32
      %dma_start3A_86 = tpu.memref_slice %arg5[%arg0, %add3A_73, %dma_start3A] : memref<2x10240x128xf32, #tpu.memory_space<hbm>> -> memref<1x64x128xf32, #tpu.memory_space<hbm>>
      %dma_start3A_87 = tpu.memref_squeeze %dma_start3A_86 : memref<1x64x128xf32, #tpu.memory_space<hbm>> -> memref<64x128xf32, #tpu.memory_space<hbm>>
      %dma_start3A_88 = arith.constant 0 : i32
      %dma_start3A_89 = tpu.memref_slice %arg12[%add3A_71, %dma_start3A_88] : memref<10240x128xf32, #tpu.memory_space<vmem_shared>> -> memref<64x128xf32, #tpu.memory_space<vmem_shared>>
      tpu.enqueue_dma source(%dma_start3A_89 : memref<64x128xf32, #tpu.memory_space<vmem_shared>>) target(%dma_start3A_87 : memref<64x128xf32, #tpu.memory_space<hbm>>) target_semaphore(%run_scoped3A : memref<!tpu.dma_semaphore, #tpu.memory_space<semaphore_mem>>)
      %dma_wait3A = arith.constant 0 : i32
      %dma_wait3A_90 = tpu.memref_slice %arg5[%arg0, %add3A_73, %dma_wait3A] : memref<2x10240x128xf32, #tpu.memory_space<hbm>> -> memref<1x64x128xf32, #tpu.memory_space<hbm>>
      %dma_wait3A_91 = tpu.memref_squeeze %dma_wait3A_90 : memref<1x64x128xf32, #tpu.memory_space<hbm>> -> memref<64x128xf32, #tpu.memory_space<hbm>>
      %dma_wait3A_92 = arith.constant 0 : i32
      %dma_wait3A_93 = tpu.memref_slice %arg12[%add3A_71, %dma_wait3A_92] : memref<10240x128xf32, #tpu.memory_space<vmem_shared>> -> memref<64x128xf32, #tpu.memory_space<vmem_shared>>
      tpu.wait_dma2 semaphore(%run_scoped3A : memref<!tpu.dma_semaphore, #tpu.memory_space<semaphore_mem>>) src(%dma_wait3A_93 : memref<64x128xf32, #tpu.memory_space<vmem_shared>>) dst(%dma_wait3A_91 : memref<64x128xf32, #tpu.memory_space<hbm>>)
      tpu.yield
    }) : () -> ()
    %add3A_74 = arith.constant 448 : i32
    %add3A_75 = arith.addi %mul3A_14, %add3A_74 : i32
    %add3A_76 = arith.constant 448 : i32
    %add3A_77 = arith.addi %mul3A_14, %add3A_76 : i32
    "tpu.region"() ({
      %run_scoped3A = tpu.sem_alloc : memref<!tpu.dma_semaphore, #tpu.memory_space<semaphore_mem>>
      %dma_start3A = arith.constant 0 : i32
      %dma_start3A_86 = tpu.memref_slice %arg5[%arg0, %add3A_77, %dma_start3A] : memref<2x10240x128xf32, #tpu.memory_space<hbm>> -> memref<1x64x128xf32, #tpu.memory_space<hbm>>
      %dma_start3A_87 = tpu.memref_squeeze %dma_start3A_86 : memref<1x64x128xf32, #tpu.memory_space<hbm>> -> memref<64x128xf32, #tpu.memory_space<hbm>>
      %dma_start3A_88 = arith.constant 0 : i32
      %dma_start3A_89 = tpu.memref_slice %arg12[%add3A_75, %dma_start3A_88] : memref<10240x128xf32, #tpu.memory_space<vmem_shared>> -> memref<64x128xf32, #tpu.memory_space<vmem_shared>>
      tpu.enqueue_dma source(%dma_start3A_89 : memref<64x128xf32, #tpu.memory_space<vmem_shared>>) target(%dma_start3A_87 : memref<64x128xf32, #tpu.memory_space<hbm>>) target_semaphore(%run_scoped3A : memref<!tpu.dma_semaphore, #tpu.memory_space<semaphore_mem>>)
      %dma_wait3A = arith.constant 0 : i32
      %dma_wait3A_90 = tpu.memref_slice %arg5[%arg0, %add3A_77, %dma_wait3A] : memref<2x10240x128xf32, #tpu.memory_space<hbm>> -> memref<1x64x128xf32, #tpu.memory_space<hbm>>
      %dma_wait3A_91 = tpu.memref_squeeze %dma_wait3A_90 : memref<1x64x128xf32, #tpu.memory_space<hbm>> -> memref<64x128xf32, #tpu.memory_space<hbm>>
      %dma_wait3A_92 = arith.constant 0 : i32
      %dma_wait3A_93 = tpu.memref_slice %arg12[%add3A_75, %dma_wait3A_92] : memref<10240x128xf32, #tpu.memory_space<vmem_shared>> -> memref<64x128xf32, #tpu.memory_space<vmem_shared>>
      tpu.wait_dma2 semaphore(%run_scoped3A : memref<!tpu.dma_semaphore, #tpu.memory_space<semaphore_mem>>) src(%dma_wait3A_93 : memref<64x128xf32, #tpu.memory_space<vmem_shared>>) dst(%dma_wait3A_91 : memref<64x128xf32, #tpu.memory_space<hbm>>)
      tpu.yield
    }) : () -> ()
    %add3A_78 = arith.constant 512 : i32
    %add3A_79 = arith.addi %mul3A_14, %add3A_78 : i32
    %add3A_80 = arith.constant 512 : i32
    %add3A_81 = arith.addi %mul3A_14, %add3A_80 : i32
    "tpu.region"() ({
      %run_scoped3A = tpu.sem_alloc : memref<!tpu.dma_semaphore, #tpu.memory_space<semaphore_mem>>
      %dma_start3A = arith.constant 0 : i32
      %dma_start3A_86 = tpu.memref_slice %arg5[%arg0, %add3A_81, %dma_start3A] : memref<2x10240x128xf32, #tpu.memory_space<hbm>> -> memref<1x64x128xf32, #tpu.memory_space<hbm>>
      %dma_start3A_87 = tpu.memref_squeeze %dma_start3A_86 : memref<1x64x128xf32, #tpu.memory_space<hbm>> -> memref<64x128xf32, #tpu.memory_space<hbm>>
      %dma_start3A_88 = arith.constant 0 : i32
      %dma_start3A_89 = tpu.memref_slice %arg12[%add3A_79, %dma_start3A_88] : memref<10240x128xf32, #tpu.memory_space<vmem_shared>> -> memref<64x128xf32, #tpu.memory_space<vmem_shared>>
      tpu.enqueue_dma source(%dma_start3A_89 : memref<64x128xf32, #tpu.memory_space<vmem_shared>>) target(%dma_start3A_87 : memref<64x128xf32, #tpu.memory_space<hbm>>) target_semaphore(%run_scoped3A : memref<!tpu.dma_semaphore, #tpu.memory_space<semaphore_mem>>)
      %dma_wait3A = arith.constant 0 : i32
      %dma_wait3A_90 = tpu.memref_slice %arg5[%arg0, %add3A_81, %dma_wait3A] : memref<2x10240x128xf32, #tpu.memory_space<hbm>> -> memref<1x64x128xf32, #tpu.memory_space<hbm>>
      %dma_wait3A_91 = tpu.memref_squeeze %dma_wait3A_90 : memref<1x64x128xf32, #tpu.memory_space<hbm>> -> memref<64x128xf32, #tpu.memory_space<hbm>>
      %dma_wait3A_92 = arith.constant 0 : i32
      %dma_wait3A_93 = tpu.memref_slice %arg12[%add3A_79, %dma_wait3A_92] : memref<10240x128xf32, #tpu.memory_space<vmem_shared>> -> memref<64x128xf32, #tpu.memory_space<vmem_shared>>
      tpu.wait_dma2 semaphore(%run_scoped3A : memref<!tpu.dma_semaphore, #tpu.memory_space<semaphore_mem>>) src(%dma_wait3A_93 : memref<64x128xf32, #tpu.memory_space<vmem_shared>>) dst(%dma_wait3A_91 : memref<64x128xf32, #tpu.memory_space<hbm>>)
      tpu.yield
    }) : () -> ()
    %add3A_82 = arith.constant 576 : i32
    %add3A_83 = arith.addi %mul3A_14, %add3A_82 : i32
    %add3A_84 = arith.constant 576 : i32
    %add3A_85 = arith.addi %mul3A_14, %add3A_84 : i32
    "tpu.region"() ({
      %run_scoped3A = tpu.sem_alloc : memref<!tpu.dma_semaphore, #tpu.memory_space<semaphore_mem>>
      %dma_start3A = arith.constant 0 : i32
      %dma_start3A_86 = tpu.memref_slice %arg5[%arg0, %add3A_85, %dma_start3A] : memref<2x10240x128xf32, #tpu.memory_space<hbm>> -> memref<1x64x128xf32, #tpu.memory_space<hbm>>
      %dma_start3A_87 = tpu.memref_squeeze %dma_start3A_86 : memref<1x64x128xf32, #tpu.memory_space<hbm>> -> memref<64x128xf32, #tpu.memory_space<hbm>>
      %dma_start3A_88 = arith.constant 0 : i32
      %dma_start3A_89 = tpu.memref_slice %arg12[%add3A_83, %dma_start3A_88] : memref<10240x128xf32, #tpu.memory_space<vmem_shared>> -> memref<64x128xf32, #tpu.memory_space<vmem_shared>>
      tpu.enqueue_dma source(%dma_start3A_89 : memref<64x128xf32, #tpu.memory_space<vmem_shared>>) target(%dma_start3A_87 : memref<64x128xf32, #tpu.memory_space<hbm>>) target_semaphore(%run_scoped3A : memref<!tpu.dma_semaphore, #tpu.memory_space<semaphore_mem>>)
      %dma_wait3A = arith.constant 0 : i32
      %dma_wait3A_90 = tpu.memref_slice %arg5[%arg0, %add3A_85, %dma_wait3A] : memref<2x10240x128xf32, #tpu.memory_space<hbm>> -> memref<1x64x128xf32, #tpu.memory_space<hbm>>
      %dma_wait3A_91 = tpu.memref_squeeze %dma_wait3A_90 : memref<1x64x128xf32, #tpu.memory_space<hbm>> -> memref<64x128xf32, #tpu.memory_space<hbm>>
      %dma_wait3A_92 = arith.constant 0 : i32
      %dma_wait3A_93 = tpu.memref_slice %arg12[%add3A_83, %dma_wait3A_92] : memref<10240x128xf32, #tpu.memory_space<vmem_shared>> -> memref<64x128xf32, #tpu.memory_space<vmem_shared>>
      tpu.wait_dma2 semaphore(%run_scoped3A : memref<!tpu.dma_semaphore, #tpu.memory_space<semaphore_mem>>) src(%dma_wait3A_93 : memref<64x128xf32, #tpu.memory_space<vmem_shared>>) dst(%dma_wait3A_91 : memref<64x128xf32, #tpu.memory_space<hbm>>)
      tpu.yield
    }) : () -> ()
    "tpu.region"() ({
      %run_scoped3A = tpu.sem_alloc : memref<!tpu.dma_semaphore, #tpu.memory_space<semaphore_mem>>
      %dma_start3A = arith.constant 0 : i32
      %dma_start3A_86 = tpu.memref_slice %arg6[%add3A, %dma_start3A] : memref<32x10240xf32, #tpu.memory_space<hbm>> -> memref<1x10240xf32, #tpu.memory_space<hbm>>
      %dma_start3A_87 = tpu.memref_squeeze %dma_start3A_86 : memref<1x10240xf32, #tpu.memory_space<hbm>> -> memref<10240xf32, #tpu.memory_space<hbm>>
      %dma_start3A_88 = arith.constant 0 : i32
      %dma_start3A_89 = tpu.memref_slice %arg6[%add3A, %dma_start3A_88] : memref<32x10240xf32, #tpu.memory_space<hbm>> -> memref<1x10240xf32, #tpu.memory_space<hbm>>
      %dma_start3A_90 = tpu.memref_squeeze %dma_start3A_89 : memref<1x10240xf32, #tpu.memory_space<hbm>> -> memref<10240xf32, #tpu.memory_space<hbm>>
      tpu.enqueue_dma source(%arg11 : memref<10240xf32, #tpu.memory_space<vmem>>) target(%dma_start3A_90 : memref<10240xf32, #tpu.memory_space<hbm>>) target_semaphore(%run_scoped3A : memref<!tpu.dma_semaphore, #tpu.memory_space<semaphore_mem>>)
      %dma_wait3A = arith.constant 0 : i32
      %dma_wait3A_91 = tpu.memref_slice %arg6[%add3A, %dma_wait3A] : memref<32x10240xf32, #tpu.memory_space<hbm>> -> memref<1x10240xf32, #tpu.memory_space<hbm>>
      %dma_wait3A_92 = tpu.memref_squeeze %dma_wait3A_91 : memref<1x10240xf32, #tpu.memory_space<hbm>> -> memref<10240xf32, #tpu.memory_space<hbm>>
      %dma_wait3A_93 = arith.constant 0 : i32
      %dma_wait3A_94 = tpu.memref_slice %arg6[%add3A, %dma_wait3A_93] : memref<32x10240xf32, #tpu.memory_space<hbm>> -> memref<1x10240xf32, #tpu.memory_space<hbm>>
      %dma_wait3A_95 = tpu.memref_squeeze %dma_wait3A_94 : memref<1x10240xf32, #tpu.memory_space<hbm>> -> memref<10240xf32, #tpu.memory_space<hbm>>
      tpu.wait_dma2 semaphore(%run_scoped3A : memref<!tpu.dma_semaphore, #tpu.memory_space<semaphore_mem>>) src(%arg11 : memref<10240xf32, #tpu.memory_space<vmem>>) dst(%dma_wait3A_95 : memref<10240xf32, #tpu.memory_space<hbm>>)
      tpu.yield
    }) : () -> ()
    return
  }
}

module attributes {stable_mosaic.version = 14 : i64} {
  func.func @_tc_hop_body(%arg0: i32, %arg1: memref<2x1024x128xf32, #tpu.memory_space<vmem>>, %arg2: memref<32x1024xf32, #tpu.memory_space<vmem>>, %arg3: memref<1024x128xf32, #tpu.memory_space<vmem>>, %arg4: memref<128x128xf32, #tpu.memory_space<vmem>>, %arg5: memref<1024x128xf32, #tpu.memory_space<vmem>>) attributes {dimension_semantics = [#tpu.dimension_semantics<arbitrary>], iteration_bounds = array<i64: 10>, scalar_prefetch = 0 : i64, scratch_operands = 0 : i64, tpu.core_type = #tpu.core_type<tc>, window_params = [{transform_indices = @transform_0, window_bounds = array<i64: 2, 1024, 128>}, {transform_indices = @transform_1, window_bounds = array<i64: 32, 1024>}, {transform_indices = @transform_2, window_bounds = array<i64: 1024, 128>}, {pipeline_mode = #tpu.pipeline_mode<synchronous>, transform_indices = @transform_3, window_bounds = array<i64: 128, 128>}, {transform_indices = @transform_4, window_bounds = array<i64: 1024, 128>}]} {
    %get3A = arith.constant 0 : index
    %get3A_0 = arith.constant 0 : index
    %get3A_1 = arith.constant 0 : index
    %get3A_2 = vector.load %arg1[%get3A, %get3A_0, %get3A_1] : memref<2x1024x128xf32, #tpu.memory_space<vmem>>, vector<1x1024x128xf32>
    %get3A_3 = vector.shape_cast %get3A_2 : vector<1x1024x128xf32> to vector<1024x128xf32>
    %get3A_4 = arith.constant 1 : index
    %get3A_5 = arith.constant 0 : index
    %get3A_6 = arith.constant 0 : index
    %get3A_7 = vector.load %arg1[%get3A_4, %get3A_5, %get3A_6] : memref<2x1024x128xf32, #tpu.memory_space<vmem>>, vector<1x1024x128xf32>
    %get3A_8 = vector.shape_cast %get3A_7 : vector<1x1024x128xf32> to vector<1024x128xf32>
    %add3A = arith.addf %get3A_3, %get3A_8 : vector<1024x128xf32>
    %get3A_9 = arith.constant 0 : index
    %get3A_10 = arith.constant 0 : index
    %get3A_11 = vector.load %arg2[%get3A_9, %get3A_10] : memref<32x1024xf32, #tpu.memory_space<vmem>>, vector<32x1024xf32>
    %broadcast_in_dim3A = arith.constant 1.000000e+00 : f32
    %broadcast_in_dim3A_12 = vector.broadcast %broadcast_in_dim3A : f32 to vector<32x1xf32>
    %dot_general3A = arith.constant dense<0.000000e+00> : vector<1024x1xf32>
    %dot_general3A_13 = tpu.matmul %get3A_11, %broadcast_in_dim3A_12, %dot_general3A {dimension_numbers = #tpu.dot_dimension_numbers<[0], [0], [1], [1], [0, 1, 1, 1], [], []>, transpose_lhs_hint = false} : vector<32x1024xf32>, vector<32x1xf32>, vector<1024x1xf32> -> vector<1024x1xf32>
    %max3A = arith.constant 1.000000e+00 : f32
    %max3A_14 = vector.broadcast %max3A : f32 to vector<1024x1xf32>
    %max3A_15 = arith.maximumf %dot_general3A_13, %max3A_14 : vector<1024x1xf32>
    %get3A_16 = arith.constant 0 : index
    %get3A_17 = arith.constant 0 : index
    %get3A_18 = vector.load %arg3[%get3A_16, %get3A_17] : memref<1024x128xf32, #tpu.memory_space<vmem>>, vector<1024x128xf32>
    %mul3A = vector.broadcast %dot_general3A_13 : vector<1024x1xf32> to vector<1024x128xf32>
    %mul3A_19 = arith.mulf %mul3A, %get3A_18 : vector<1024x128xf32>
    %sub3A = arith.subf %add3A, %mul3A_19 : vector<1024x128xf32>
    %div3A = vector.broadcast %max3A_15 : vector<1024x1xf32> to vector<1024x128xf32>
    %div3A_20 = arith.divf %sub3A, %div3A : vector<1024x128xf32>
    %get3A_21 = arith.constant 0 : index
    %get3A_22 = arith.constant 0 : index
    %get3A_23 = vector.load %arg4[%get3A_21, %get3A_22] : memref<128x128xf32, #tpu.memory_space<vmem>>, vector<128x128xf32>
    %dot_general3A_24 = arith.constant dense<0.000000e+00> : vector<1024x128xf32>
    %dot_general3A_25 = tpu.matmul %div3A_20, %get3A_23, %dot_general3A_24 {dimension_numbers = #tpu.dot_dimension_numbers<[1], [0], [0], [1], [0, 0, 1, 1], [], []>, transpose_lhs_hint = false} : vector<1024x128xf32>, vector<128x128xf32>, vector<1024x128xf32> -> vector<1024x128xf32>
    %tanh3A = math.tanh %dot_general3A_25 : vector<1024x128xf32>
    %swap3A = arith.constant 0 : index
    %swap3A_26 = arith.constant 0 : index
    %swap3A_27 = vector.load %arg5[%swap3A, %swap3A_26] : memref<1024x128xf32, #tpu.memory_space<vmem>>, vector<1024x128xf32>
    tpu.vector_store %arg5[%swap3A, %swap3A_26], %tanh3A {strides = array<i32>} : memref<1024x128xf32, #tpu.memory_space<vmem>>, vector<1024x128xf32>,
    return
  }
  func.func @transform_0(%arg0: i32) -> (i32, i32, i32) {
    %c0_i32 = arith.constant 0 : i32
    %c0_i32_0 = arith.constant 0 : i32
    %c0_i32_1 = arith.constant 0 : i32
    return %c0_i32, %arg0, %c0_i32_0 : i32, i32, i32
  }
  func.func @transform_1(%arg0: i32) -> (i32, i32) {
    %c0_i32 = arith.constant 0 : i32
    %c0_i32_0 = arith.constant 0 : i32
    return %c0_i32, %arg0 : i32, i32
  }
  func.func @transform_2(%arg0: i32) -> (i32, i32) {
    %c0_i32 = arith.constant 0 : i32
    %c0_i32_0 = arith.constant 0 : i32
    return %arg0, %c0_i32 : i32, i32
  }
  func.func @transform_3(%arg0: i32) -> (i32, i32) {
    %c0_i32 = arith.constant 0 : i32
    %c0_i32_0 = arith.constant 0 : i32
    %c0_i32_1 = arith.constant 0 : i32
    return %c0_i32, %c0_i32_0 : i32, i32
  }
  func.func @transform_4(%arg0: i32) -> (i32, i32) {
    %c0_i32 = arith.constant 0 : i32
    %c0_i32_0 = arith.constant 0 : i32
    return %arg0, %c0_i32 : i32, i32
  }
}

module attributes {stable_mosaic.version = 14 : i64} {
  func.func @_tc_final_body(%arg0: i32, %arg1: memref<2x1024x128xf32, #tpu.memory_space<vmem>>, %arg2: memref<32x1024xf32, #tpu.memory_space<vmem>>, %arg3: memref<1024x128xf32, #tpu.memory_space<vmem>>, %arg4: memref<1024x128xf32, #tpu.memory_space<vmem>>, %arg5: memref<128x128xf32, #tpu.memory_space<vmem>>, %arg6: memref<384x128xf32, #tpu.memory_space<vmem>>, %arg7: memref<1x128xf32, #tpu.memory_space<vmem>>, %arg8: memref<128x128xf32, #tpu.memory_space<vmem>>, %arg9: memref<1x128xf32, #tpu.memory_space<vmem>>, %arg10: memref<1024x128xf32, #tpu.memory_space<vmem>>) attributes {dimension_semantics = [#tpu.dimension_semantics<arbitrary>], iteration_bounds = array<i64: 10>, scalar_prefetch = 0 : i64, scratch_operands = 0 : i64, tpu.core_type = #tpu.core_type<tc>, window_params = [{transform_indices = @transform_0, window_bounds = array<i64: 2, 1024, 128>}, {transform_indices = @transform_1, window_bounds = array<i64: 32, 1024>}, {transform_indices = @transform_2, window_bounds = array<i64: 1024, 128>}, {transform_indices = @transform_3, window_bounds = array<i64: 1024, 128>}, {pipeline_mode = #tpu.pipeline_mode<synchronous>, transform_indices = @transform_4, window_bounds = array<i64: 128, 128>}, {pipeline_mode = #tpu.pipeline_mode<synchronous>, transform_indices = @transform_5, window_bounds = array<i64: 384, 128>}, {pipeline_mode = #tpu.pipeline_mode<synchronous>, transform_indices = @transform_6, window_bounds = array<i64: 1, 128>}, {pipeline_mode = #tpu.pipeline_mode<synchronous>, transform_indices = @transform_7, window_bounds = array<i64: 128, 128>}, {pipeline_mode = #tpu.pipeline_mode<synchronous>, transform_indices = @transform_8, window_bounds = array<i64: 1, 128>}, {transform_indices = @transform_9, window_bounds = array<i64: 1024, 128>}]} {
    %get3A = arith.constant 0 : index
    %get3A_0 = arith.constant 0 : index
    %get3A_1 = arith.constant 0 : index
    %get3A_2 = vector.load %arg1[%get3A, %get3A_0, %get3A_1] : memref<2x1024x128xf32, #tpu.memory_space<vmem>>, vector<1x1024x128xf32>
    %get3A_3 = vector.shape_cast %get3A_2 : vector<1x1024x128xf32> to vector<1024x128xf32>
    %get3A_4 = arith.constant 1 : index
    %get3A_5 = arith.constant 0 : index
    %get3A_6 = arith.constant 0 : index
    %get3A_7 = vector.load %arg1[%get3A_4, %get3A_5, %get3A_6] : memref<2x1024x128xf32, #tpu.memory_space<vmem>>, vector<1x1024x128xf32>
    %get3A_8 = vector.shape_cast %get3A_7 : vector<1x1024x128xf32> to vector<1024x128xf32>
    %add3A = arith.addf %get3A_3, %get3A_8 : vector<1024x128xf32>
    %get3A_9 = arith.constant 0 : index
    %get3A_10 = arith.constant 0 : index
    %get3A_11 = vector.load %arg2[%get3A_9, %get3A_10] : memref<32x1024xf32, #tpu.memory_space<vmem>>, vector<32x1024xf32>
    %broadcast_in_dim3A = arith.constant 1.000000e+00 : f32
    %broadcast_in_dim3A_12 = vector.broadcast %broadcast_in_dim3A : f32 to vector<32x1xf32>
    %dot_general3A = arith.constant dense<0.000000e+00> : vector<1024x1xf32>
    %dot_general3A_13 = tpu.matmul %get3A_11, %broadcast_in_dim3A_12, %dot_general3A {dimension_numbers = #tpu.dot_dimension_numbers<[0], [0], [1], [1], [0, 1, 1, 1], [], []>, transpose_lhs_hint = false} : vector<32x1024xf32>, vector<32x1xf32>, vector<1024x1xf32> -> vector<1024x1xf32>
    %max3A = arith.constant 1.000000e+00 : f32
    %max3A_14 = vector.broadcast %max3A : f32 to vector<1024x1xf32>
    %max3A_15 = arith.maximumf %dot_general3A_13, %max3A_14 : vector<1024x1xf32>
    %get3A_16 = arith.constant 0 : index
    %get3A_17 = arith.constant 0 : index
    %get3A_18 = vector.load %arg4[%get3A_16, %get3A_17] : memref<1024x128xf32, #tpu.memory_space<vmem>>, vector<1024x128xf32>
    %mul3A = vector.broadcast %dot_general3A_13 : vector<1024x1xf32> to vector<1024x128xf32>
    %mul3A_19 = arith.mulf %mul3A, %get3A_18 : vector<1024x128xf32>
    %sub3A = arith.subf %add3A, %mul3A_19 : vector<1024x128xf32>
    %div3A = vector.broadcast %max3A_15 : vector<1024x1xf32> to vector<1024x128xf32>
    %div3A_20 = arith.divf %sub3A, %div3A : vector<1024x128xf32>
    %get3A_21 = arith.constant 0 : index
    %get3A_22 = arith.constant 0 : index
    %get3A_23 = vector.load %arg5[%get3A_21, %get3A_22] : memref<128x128xf32, #tpu.memory_space<vmem>>, vector<128x128xf32>
    %dot_general3A_24 = arith.constant dense<0.000000e+00> : vector<1024x128xf32>
    %dot_general3A_25 = tpu.matmul %div3A_20, %get3A_23, %dot_general3A_24 {dimension_numbers = #tpu.dot_dimension_numbers<[1], [0], [0], [1], [0, 0, 1, 1], [], []>, transpose_lhs_hint = false} : vector<1024x128xf32>, vector<128x128xf32>, vector<1024x128xf32> -> vector<1024x128xf32>
    %tanh3A = math.tanh %dot_general3A_25 : vector<1024x128xf32>
    %get3A_26 = arith.constant 0 : index
    %get3A_27 = arith.constant 0 : index
    %get3A_28 = vector.load %arg6[%get3A_26, %get3A_27] : memref<384x128xf32, #tpu.memory_space<vmem>>, vector<384x128xf32>
    %get3A_29 = arith.constant 0 : index
    %get3A_30 = arith.constant 0 : index
    %get3A_31 = vector.load %arg3[%get3A_29, %get3A_30] : memref<1024x128xf32, #tpu.memory_space<vmem>>, vector<1024x128xf32>
    %slice3A = vector.extract_strided_slice %get3A_28 {offsets = [0, 0], sizes = [128, 128], strides = [1, 1]} : vector<384x128xf32> to vector<128x128xf32>
    %dot_general3A_32 = arith.constant dense<0.000000e+00> : vector<1024x128xf32>
    %dot_general3A_33 = tpu.matmul %get3A_31, %slice3A, %dot_general3A_32 {dimension_numbers = #tpu.dot_dimension_numbers<[1], [0], [0], [1], [0, 0, 1, 1], [], []>, transpose_lhs_hint = false} : vector<1024x128xf32>, vector<128x128xf32>, vector<1024x128xf32> -> vector<1024x128xf32>
    %slice3A_34 = vector.extract_strided_slice %get3A_28 {offsets = [128, 0], sizes = [128, 128], strides = [1, 1]} : vector<384x128xf32> to vector<128x128xf32>
    %dot_general3A_35 = arith.constant dense<0.000000e+00> : vector<1024x128xf32>
    %dot_general3A_36 = tpu.matmul %get3A_18, %slice3A_34, %dot_general3A_35 {dimension_numbers = #tpu.dot_dimension_numbers<[1], [0], [0], [1], [0, 0, 1, 1], [], []>, transpose_lhs_hint = false} : vector<1024x128xf32>, vector<128x128xf32>, vector<1024x128xf32> -> vector<1024x128xf32>
    %add3A_37 = arith.addf %dot_general3A_33, %dot_general3A_36 : vector<1024x128xf32>
    %slice3A_38 = vector.extract_strided_slice %get3A_28 {offsets = [256, 0], sizes = [128, 128], strides = [1, 1]} : vector<384x128xf32> to vector<128x128xf32>
    %dot_general3A_39 = arith.constant dense<0.000000e+00> : vector<1024x128xf32>
    %dot_general3A_40 = tpu.matmul %tanh3A, %slice3A_38, %dot_general3A_39 {dimension_numbers = #tpu.dot_dimension_numbers<[1], [0], [0], [1], [0, 0, 1, 1], [], []>, transpose_lhs_hint = false} : vector<1024x128xf32>, vector<128x128xf32>, vector<1024x128xf32> -> vector<1024x128xf32>
    %add3A_41 = arith.addf %add3A_37, %dot_general3A_40 : vector<1024x128xf32>
    %get3A_42 = arith.constant 0 : index
    %get3A_43 = arith.constant 0 : index
    %get3A_44 = vector.load %arg7[%get3A_42, %get3A_43] : memref<1x128xf32, #tpu.memory_space<vmem>>, vector<1x128xf32>
    %add3A_45 = vector.broadcast %get3A_44 : vector<1x128xf32> to vector<1024x128xf32>
    %add3A_46 = arith.addf %add3A_41, %add3A_45 : vector<1024x128xf32>
    %tanh3A_47 = math.tanh %add3A_46 : vector<1024x128xf32>
    %get3A_48 = arith.constant 0 : index
    %get3A_49 = arith.constant 0 : index
    %get3A_50 = vector.load %arg8[%get3A_48, %get3A_49] : memref<128x128xf32, #tpu.memory_space<vmem>>, vector<128x128xf32>
    %dot_general3A_51 = arith.constant dense<0.000000e+00> : vector<1024x128xf32>
    %dot_general3A_52 = tpu.matmul %tanh3A_47, %get3A_50, %dot_general3A_51 {dimension_numbers = #tpu.dot_dimension_numbers<[1], [0], [0], [1], [0, 0, 1, 1], [], []>, transpose_lhs_hint = false} : vector<1024x128xf32>, vector<128x128xf32>, vector<1024x128xf32> -> vector<1024x128xf32>
    %get3A_53 = arith.constant 0 : index
    %get3A_54 = arith.constant 0 : index
    %get3A_55 = vector.load %arg9[%get3A_53, %get3A_54] : memref<1x128xf32, #tpu.memory_space<vmem>>, vector<1x128xf32>
    %add3A_56 = vector.broadcast %get3A_55 : vector<1x128xf32> to vector<1024x128xf32>
    %add3A_57 = arith.addf %dot_general3A_52, %add3A_56 : vector<1024x128xf32>
    %swap3A = arith.constant 0 : index
    %swap3A_58 = arith.constant 0 : index
    %swap3A_59 = vector.load %arg10[%swap3A, %swap3A_58] : memref<1024x128xf32, #tpu.memory_space<vmem>>, vector<1024x128xf32>
    tpu.vector_store %arg10[%swap3A, %swap3A_58], %add3A_57 {strides = array<i32>} : memref<1024x128xf32, #tpu.memory_space<vmem>>, vector<1024x128xf32>,
    return
  }
  func.func @transform_0(%arg0: i32) -> (i32, i32, i32) {
    %c0_i32 = arith.constant 0 : i32
    %c0_i32_0 = arith.constant 0 : i32
    %c0_i32_1 = arith.constant 0 : i32
    return %c0_i32, %arg0, %c0_i32_0 : i32, i32, i32
  }
  func.func @transform_1(%arg0: i32) -> (i32, i32) {
    %c0_i32 = arith.constant 0 : i32
    %c0_i32_0 = arith.constant 0 : i32
    return %c0_i32, %arg0 : i32, i32
  }
  func.func @transform_2(%arg0: i32) -> (i32, i32) {
    %c0_i32 = arith.constant 0 : i32
    %c0_i32_0 = arith.constant 0 : i32
    return %arg0, %c0_i32 : i32, i32
  }
  func.func @transform_3(%arg0: i32) -> (i32, i32) {
    %c0_i32 = arith.constant 0 : i32
    %c0_i32_0 = arith.constant 0 : i32
    return %arg0, %c0_i32 : i32, i32
  }
  func.func @transform_4(%arg0: i32) -> (i32, i32) {
    %c0_i32 = arith.constant 0 : i32
    %c0_i32_0 = arith.constant 0 : i32
    %c0_i32_1 = arith.constant 0 : i32
    return %c0_i32, %c0_i32_0 : i32, i32
  }
  func.func @transform_5(%arg0: i32) -> (i32, i32) {
    %c0_i32 = arith.constant 0 : i32
    %c0_i32_0 = arith.constant 0 : i32
    %c0_i32_1 = arith.constant 0 : i32
    return %c0_i32, %c0_i32_0 : i32, i32
  }
  func.func @transform_6(%arg0: i32) -> (i32, i32) {
    %c0_i32 = arith.constant 0 : i32
    %c0_i32_0 = arith.constant 0 : i32
    %c0_i32_1 = arith.constant 0 : i32
    return %c0_i32, %c0_i32_0 : i32, i32
  }
  func.func @transform_7(%arg0: i32) -> (i32, i32) {
    %c0_i32 = arith.constant 0 : i32
    %c0_i32_0 = arith.constant 0 : i32
    %c0_i32_1 = arith.constant 0 : i32
    return %c0_i32, %c0_i32_0 : i32, i32
  }
  func.func @transform_8(%arg0: i32) -> (i32, i32) {
    %c0_i32 = arith.constant 0 : i32
    %c0_i32_0 = arith.constant 0 : i32
    %c0_i32_1 = arith.constant 0 : i32
    return %c0_i32, %c0_i32_0 : i32, i32
  }
  func.func @transform_9(%arg0: i32) -> (i32, i32) {
    %c0_i32 = arith.constant 0 : i32
    %c0_i32_0 = arith.constant 0 : i32
    return %arg0, %c0_i32 : i32, i32
  }
}

</mosaic_0001>

<sc_bundles>
// kernel: kernel.6.cloned.1.call-start
scs
__scs_entry_jumppad:
0x0: {  	(pc) =	sbr.rel $0x88, $3  }
0x1: {  	(tag) =	ssettag $0x0;
	lr =	simm.s32 $0x1  }
0x2: {  	[smem:$0x3F99] =	sst lr;
	_ =	strace $0xD0000000  }
0x3: {  	_ = 	snop  }
0x4: {  	_ = 	snop  }
0x5: {  	_ = 	snop  }
0x6: {  	_ = 	snop  }
0x7: {  	_ = 	snop  }
__scs_overlays_trampoline_lowered:
0x8: {  	[smem:$0x3FA8] =	sst s0  }
0x9: {  	[smem:$0x3FA9] =	sst s1  }
0xa: {  	[smem:$0x3FAA] =	sst s2  }
0xb: {  	[smem:$0x3FAB] =	sst s3  }
0xc: {  	[smem:$0x3FAC] =	sst s4  }
0xd: {  	[smem:$0x3FAD] =	sst s5  }
0xe: {  	[smem:$0x3FAE] =	sst s6  }
0xf: {  	[smem:$0x3FAF] =	sst s7  }
0x10: {  	[smem:$0x3FB0] =	sst s8  }
0x11: {  	[smem:$0x3FB1] =	sst s9;
	s0 =	simm.s32 @!p0 $0x0  }
0x12: {  	s1 =	sld [smem:$0x3F97];
	s0 =	simm.s32 @p0 $0x1  }
0x13: {  	[smem:$0x3FB2] =	sst s0;
	s0 =	simm.s32 @!p1 $0x0  }
0x14: {  	s2 =	sld [smem:$0x3F96];
	s0 =	simm.s32 @p1 $0x1  }
0x15: {  	[smem:$0x3FB3] =	sst s0;
	s0 =	simm.s32 @!p2 $0x0  }
0x16: {  	s3 =	sld [smem:$0x3FDB];
	s0 =	simm.s32 @p2 $0x1  }
0x17: {  	s4 =	simm.s32 $0x1BF5;
	[smem:$0x3FB5] =	sst s0  }
0x18: {  	s0 =	sld [smem:$0x3F98];
	_ =	swait.ge [sflag:s4], $0x0  }
0x19: {  	s7 =	sld [smem:$0x3F99]  }
0x1a: {  	s8 =	sadd.s32 $0xFFFFE003, lr  }
0x1b: {  	s9 =	sadd.s32 $0xFFFFFEF7, lr;
	s5 =	simm.s32 $0xFFFFFFFF;
	p2 =	slt.u32 s8, $0xFFFFF086  }
0x1c: {  	p1 =	slt.u32 s9, $0xF7A;
	s5 =	simm.s32 @!p2 $0x0  }
0x1d: {  	s5 =	simm.s32 @p1 $0x1;
	p0 =	seq.s32 s7, s2  }
0x1e: {  	s7 =	smul.u32 @!p0 $0xF7A, s2;
	p2 =	seq.s32 @!p0 s5, $0x0  }
0x1f: {  	s9 =	smul.u32 $0xF7A, s1;
	s8 =	simm.s32 @!p0 $0x1BF5;
	p2 =	por !p2, p0  }
0x20: {  	[sflag:s8] =	ssyncset.s32 @!p0 $0xFFFFF086;
	s6 =	sadd.s32 @!p0 s3, s7;
	s7 =	simm.s32 @!p0 $0x108  }
0x21: {  	s3 =	sadd.s32 s3, s9;
	s6 =	sadd.s32 @!p0 $0x88, s6;
	s7 =	simm.s32 @p2 $0x1082  }
0x22: {  	[simem:s7], [sflag:s8] =	dma.local @!p0 [hbm:s6], $0xF7A  }
0x23: {  	s9 =	sor.u32 $0xD0000000, s2;
	s6 =	simm.s32 $0x108;
	_ =	swait.ge @!p0 [sflag:s8], $0x0  }
0x24: {  	s3 =	sadd.s32 $0x88, s3;
	s6 =	simm.s32 @!p1 $0x1082;
	[sflag:s4] =	ssyncset.s32 $0xFFFFF086  }
0x25: {  	[simem:s6], [sflag:s4] =	dma.local [hbm:s3], $0xF7A  }
0x26: {  	[smem:$0x3F99] =	sst s1;
	(tag) =	ssettag s2;
	_ =	strace s9  }
0x27: {  	s1 =	sld [smem:$0x3FA9]  }
0x28: {  	s2 =	sld [smem:$0x3FAA]  }
0x29: {  	s4 =	sld [smem:$0x3FAC]  }
0x2a: {  	p0 =	seq.s32 s5, $0x0;
	s5 =	sld [smem:$0x3FAD]  }
0x2b: {  	s6 =	sld [smem:$0x3FAE]  }
0x2c: {  	s7 =	sld [smem:$0x3FAF]  }
0x2d: {  	s3 =	simm.s32 $0x108;
	s8 =	sld [smem:$0x3FB0]  }
0x2e: {  	s3 =	simm.s32 @!p0 $0x1082;
	s9 =	sld [smem:$0x3FB1]  }
0x2f: {  	lr =	sadd.s32 s0, s3;
	s0 =	sld [smem:$0x3FA8]  }
0x30: {  	s3 =	sld [smem:$0x3FAB]  }
0x31: {  	[smem:$0x3FB4] =	sst s10  }
0x32: {  	s10 =	sld [smem:$0x3FB2];
	_ =	sdelay $0x3  }
0x33: {  	p0 =	seq.s32 s10, $0x1;
	s10 =	sld [smem:$0x3FB4];
	_ =	sdelay $0x3  }
0x34: {  	[smem:$0x3FB4] =	sst s10  }
0x35: {  	s10 =	sld [smem:$0x3FB3];
	_ =	sdelay $0x3  }
0x36: {  	p1 =	seq.s32 s10, $0x1;
	s10 =	sld [smem:$0x3FB4];
	_ =	sdelay $0x3  }
0x37: {  	[smem:$0x3FB4] =	sst s10  }
0x38: {  	s10 =	sld [smem:$0x3FB5]  }
0x39: {  	_ = 	snop;
	(pc) =	sbr.ind lr, $3  }
0x3a: {  	_ = 	snop  }
0x3b: {  	_ = 	snop  }
0x3c: {  	p2 =	seq.s32 s10, $0x1;
	s10 =	sld [smem:$0x3FB4]  }
0x3d: {  	_ =	shalt  }
0x3e: {  	_ =	shalt  }
0x3f: {  	_ =	shalt  }
0x40: {  	_ =	shalt  }
0x41: {  	_ =	shalt  }
0x42: {  	_ =	shalt  }
0x43: {  	_ =	shalt  }
0x44: {  	_ =	shalt  }
0x45: {  	_ =	shalt  }
0x46: {  	_ =	shalt  }
0x47: {  	_ =	shalt  }
0x48: {  	_ =	shalt  }
0x49: {  	_ =	shalt  }
0x4a: {  	_ =	shalt  }
0x4b: {  	_ =	shalt  }
0x4c: {  	_ =	shalt  }
0x4d: {  	_ =	shalt  }
0x4e: {  	_ =	shalt  }
0x4f: {  	_ =	shalt  }
0x50: {  	_ =	shalt  }
0x51: {  	_ =	shalt  }
0x52: {  	_ =	shalt  }
0x53: {  	_ =	shalt  }
0x54: {  	_ =	shalt  }
0x55: {  	_ =	shalt  }
0x56: {  	_ =	shalt  }
0x57: {  	_ =	shalt  }
0x58: {  	_ =	shalt  }
0x59: {  	_ =	shalt  }
0x5a: {  	_ =	shalt  }
0x5b: {  	_ =	shalt  }
0x5c: {  	_ =	shalt  }
0x5d: {  	_ =	shalt  }
0x5e: {  	_ =	shalt  }
0x5f: {  	_ =	shalt  }
0x60: {  	_ =	shalt  }
0x61: {  	_ =	shalt  }
0x62: {  	_ =	shalt  }
0x63: {  	_ =	shalt  }
0x64: {  	_ =	shalt  }
0x65: {  	_ =	shalt  }
0x66: {  	_ =	shalt  }
0x67: {  	_ =	shalt  }
0x68: {  	_ =	shalt  }
0x69: {  	_ =	shalt  }
0x6a: {  	_ =	shalt  }
0x6b: {  	_ =	shalt  }
0x6c: {  	_ =	shalt  }
0x6d: {  	_ =	shalt  }
0x6e: {  	_ =	shalt  }
0x6f: {  	_ =	shalt  }
0x70: {  	_ =	shalt  }
0x71: {  	_ =	shalt  }
0x72: {  	_ =	shalt  }
0x73: {  	_ =	shalt  }
0x74: {  	_ =	shalt  }
0x75: {  	_ =	shalt  }
0x76: {  	_ =	shalt  }
0x77: {  	_ =	shalt  }
0x78: {  	_ =	shalt  }
0x79: {  	_ =	shalt  }
0x7a: {  	_ =	shalt  }
0x7b: {  	_ =	shalt  }
0x7c: {  	_ =	shalt  }
0x7d: {  	_ =	shalt  }
0x7e: {  	_ =	shalt  }
0x7f: {  	_ =	shalt  }
0x80: {  	_ =	shalt  }
0x81: {  	_ =	shalt  }
0x82: {  	_ =	shalt  }
0x83: {  	_ =	shalt  }
0x84: {  	_ =	shalt  }
0x85: {  	_ =	shalt  }
0x86: {  	_ =	shalt  }
0x87: {  	_ =	shalt  }
.Lfunc_end0:
.L_simem_size_0:
called_computation_lowered:
.L_overlay_start_0:
0x88: {  	s2 =	sld [smem:$0x3FD9]  }
0x89: {  	s3 =	sld [smem:$0x3FFE];
	_ =	sdelay $0x1  }
0x8a: {  	s1 =	srdreg.scid  }
0x8b: {  	s0 =	sand.u32 $0x1, s1  }
0x8c: {  	s17 =	sshll.u32 s0, $0xA;
	s2 =	sadd.s32 s3, s2  }
0x8d: {  	s2 =	sadd.s32 s2, s17  }
0x8e: {  	[smem:$0x3FC0] =	sst s2  }
0x8f: {  	_ = 	snop  }
0x90: {  	s2 =	sld [smem:$0x3FD0];
	(tm) =	ssettm $0x1  }
0x91: {  	s18 =	sld [smem:$0x3FFB];
	_ =	sdelay $0x3  }
0x92: {  	_ =	strace s18  }
0x93: {  	s3 =	sld [smem:$0x3FFC];
	_ =	sdelay $0x3  }
0x94: {  	_ =	strace s3  }
0x95: {  	s3 =	sld [smem:$0x3FFD];
	_ =	sdelay $0x3  }
0x96: {  	_ =	strace s3  }
0x97: {  	_ =	strace $0x8FFFFFFF  }
0x98: {  	s19 =	sld [smem:$0x3FDB];
	_ =	sdelay $0x1  }
0x99: {  	s4 =	simm.s32 $_scs_section_size  }
0x9a: {  	s5 =	simm.s32 $_size__tile_overlayer_lowered;
	s6 =	simm.s32 $_tile_overlayer_lowered  }
0x9b: {  	s22 =	simm.s32 $0x1BFF;
	s21 =	sshll.u32 s6, $0x1;
	s3 =	sadd.s32 s4, s19  }
0x9c: {  	s7 =	simm.s32 $0x0;
	s20 =	sshll.u32 s5, $0x1;
	s5 =	sadd.s32 s21, s3  }
0x9d: {  	[timem:s7], [sflag:s22] =	dma.local [hbm:s5], s20  }
0x9e: {  	_ =	swait.ge [sflag:s22], s20  }
0x9f: {  	s4 =	ssub.s32 $0x0, s20;
	[sflag:s22] =	ssyncset.done $0x0  }
0xa0: {  	[sflag:s22] =	ssyncadd.s32 s4;
	_ =	sdelay $0x1  }
0xa1: {  	s23 =	simm.s32 $0x1B8B  }
0xa2: {  	_ =	swait.ge [sflag:s23], $0x1  }
0xa3: {  	[sflag:s23] =	ssyncset.done $0x0  }
0xa4: {  	s25 =	simm.s32 $0x1B8E;
	s24 =	sld [smem:$0x3FFE];
	[sflag:s23] =	ssyncadd.s32 $0xFFFFFFFF  }
0xa5: {  	s26 =	simm.s32 $execute0_lowered;
	[smem:$0x3FD2] =	sst s25  }
0xa6: {  	s5 =	sshll.u32 s26, $0x1;
	_ =	strace $0x80000046;
	[dreg:$0x1] =	wrdreg $0xFFFFFFFF  }
0xa7: {  	s28 =	simm.s32 $_size_execute0_lowered;
	s3 =	sadd.s32 s3, s5;
	[dreg:$0x0] =	wrdreg $0x0  }
0xa8: {  	s5 =	sshll.u32 s28, $0x1;
	[dreg:$0x2] =	wrdreg s3  }
0xa9: {  	[dreg:$0x3] =	wrdreg s5  }
0xaa: {  	[dreg:$0x4] =	wrdreg $0xC0  }
0xab: {  	_ =	task [dreg:s7], $0x5FFFF  }
0xac: {  	[dreg:$0x1] =	wrdreg $0xFFFFFFFF  }
0xad: {  	[dreg:$0x0] =	wrdreg $0x60  }
0xae: {  	[dreg:$0x2] =	wrdreg s24  }
0xaf: {  	[dreg:$0x3] =	wrdreg s2  }
0xb0: {  	[dreg:$0x4] =	wrdreg $0x89000  }
0xb1: {  	[dreg:$0x5] =	wrdreg $0x9  }
0xb2: {  	_ =	task.clear_ibuf [dreg:s7], $0x6FFFF;
	_ =	strace $0x90000046  }
0xb3: {  	s29 =	simm.s32 $0x9;
	_ =	strace $0x80000048  }
0xb4: {  	_ =	swait.ge [sflag:s29], $0x1  }
0xb5: {  	[sflag:s29] =	ssyncadd.s32 $0xFFFFFFFF  }
0xb6: {  	_ =	strace $0x90000048  }
0xb7: {  	_ =	sfence  }
0xb8: {  	s30 =	sld [smem:$0x0];
	_ =	sdelay $0x2  }
0xb9: {  	s31 =	sshll.u32 s1, $0xD;
	s1 =	sshrl.u32 s1, $0x2  }
0xba: {  	s3 =	sand.u32 $0x4000, s31;
	s1 =	sadd.s32 s1, s30  }
0xbb: {  	s0 =	sor.u32 s3, s0;
	s1 =	sshll.u32 s1, $0x11  }
0xbc: {  	s0 =	sor.u32 s1, s0  }
0xbd: {  	s0 =	sadd.s32 $0x8F2B, s0  }
0xbe: {  	[sflag:s0] =	ssyncadd.remote.s32 $0x1  }
0xbf: {  	_ =	sfence.sel $0xFFFF  }
0xc0: {  	[dreg:$0x0] =	wrdreg $0xFFFFFFFF;
	(pc) =	sbr.abs _section_cstart, $3  }
0xc1: {  	[dreg:$0x1] =	wrdreg $0xFFFFFFFF  }
0xc2: {  	_ =	task.clear_ibuf [dreg:s7], $0x2FFFF;
	_ =	strace $0x9FFFFFFF  }
0xc3: {  	(tm) =	ssettm $0x7FFFFFFF  }
tec
execute0_lowered:
.L_overlay_start_1:
0x0: {  	(tag) =	ssettag $0x1  }
0x1: {  	s0 =	srdreg.scid  }
0x2: {  	s15 =	stileid.u32;
	s1 =	rddreg [dreg:$0x0]  }
0x3: {  	s30 =	simm.s32 $0x4100;
	s2 =	sand.u32 $0x1, s0;
	s5 =	smul.u32 $0x14000, s15  }
0x4: {  	s31 =	simm.s32 $0x2;
	s10 =	sadd.s32 $0x3E200, s1;
	s3 =	smul.u32 $0x4F00, s2  }
0x5: {  	s0 =	ssub.s32 $0x2, s2;
	s16 =	sshll.u32 s2, $0x4;
	s2 =	smul.u32 $0x140000, s2  }
0x6: {  	s4 =	sshrl.u32 s0, $0x1;
	s12 =	sor.u32 $0x2000, s5;
	s18 =	sadd.s32 $0x4000, s5  }
0x7: {  	s19 =	sadd.s32 $0x6000, s5;
	s20 =	sadd.s32 $0x8000, s5;
	s21 =	sadd.s32 $0xA000, s5  }
0x8: {  	s22 =	sadd.s32 $0xC000, s5;
	s23 =	sadd.s32 $0xE000, s5;
	s24 =	sadd.s32 $0x10000, s5  }
0x9: {  	s0 =	ssub.s32 s0, s4;
	s4 =	sor.u32 s15, s16;
	s6 =	sadd.s32 s5, s2  }
0xa: {  	s7 =	sadd.s32 s2, s12;
	s5 =	sadd.s32 $0x12000, s5;
	s25 =	sadd.s32 s2, s18  }
0xb: {  	s26 =	sadd.s32 s2, s19;
	s8 =	sadd.s32 s2, s20;
	s14 =	sadd.s32 s2, s21  }
0xc: {  	s16 =	sadd.s32 s2, s22;
	s3 =	sadd.s32 s3, s1;
	s6 =	sshrl.u32 s6, $0x3  }
0xd: {  	s7 =	sshrl.u32 s7, $0x3;
	s9 =	sshrl.u32 s26, $0x3;
	s11 =	sshrl.u32 s8, $0x3  }
0xe: {  	s4 =	sshrl.u32 s4, $0x3;
	s26 =	smul.u32 $0x4F0, s15;
	s6 =	sadd.s32 s10, s6  }
0xf: {  	s17 =	sadd.s32 s10, s7;
	s13 =	sadd.s32 s10, s11;
	s7 =	sshrl.u32 s16, $0x3  }
0x10: {  	s4 =	smul.u32 $0x14000, s4;
	s11 =	sshll.u32 s15, $0x7;
	[dreg:$0x4] =	wrdreg s6  }
0x11: {  	s16 =	smul.u32 $0x50000, s15;
	s15 =	sadd.s32 $0x16200, s1;
	[dreg:$0x5] =	wrdreg s17  }
0x12: {  	s1 =	simm.s32 $0x1;
	s6 =	sshrl.u32 s25, $0x3;
	[dreg:$0x8] =	wrdreg s13  }
0x13: {  	s17 =	sadd.s32 s2, s23;
	s7 =	sadd.s32 s10, s7;
	s25 =	sand.u32 $0x380, s11  }
0x14: {  	s11 =	simm.s32 $0x0;
	s13 =	rddreg [dreg:$0x2];
	s6 =	sadd.s32 s10, s6  }
0x15: {  	s8 =	sshrl.u32 s17, $0x3;
	[smem:$0x7FF] =	sst s11;
	s17 =	sadd.s32 s12, s13  }
0x16: {  	s18 =	sadd.s32 s18, s13;
	s19 =	sadd.s32 s19, s13;
	s20 =	sadd.s32 s20, s13  }
0x17: {  	s21 =	sadd.s32 s21, s13;
	s22 =	sadd.s32 s22, s13;
	s23 =	sadd.s32 s23, s13  }
0x18: {  	s12 =	simm.s32 $0x80;
	[dreg:$0x6] =	wrdreg s6;
	s6 =	sadd.s32 s10, s9  }
0x19: {  	s8 =	sadd.s32 s10, s8;
	s9 =	sadd.s32 s2, s24;
	s2 =	sadd.s32 s2, s5  }
0x1a: {  	s24 =	sadd.s32 s24, s13;
	[dreg:$0x7] =	wrdreg s6;
	s6 =	sshrl.u32 s14, $0x3  }
0x1b: {  	s9 =	sshrl.u32 s9, $0x3;
	s2 =	sshrl.u32 s2, $0x3;
	s14 =	rddreg [dreg:$0x1]  }
0x1c: {  	s6 =	sadd.s32 s10, s6;
	s9 =	sadd.s32 s10, s9;
	s10 =	sadd.s32 s10, s2  }
0x1d: {  	s2 =	sor.u32 s25, s4;
	s25 =	sadd.s32 s5, s13;
	[dreg:$0x9] =	wrdreg s6  }
0x1e: {  	s2 =	sshrl.u32 s2, $0x3;
	s6 =	sadd.s32 s26, s3;
	s26 =	sshrl.u32 s16, $0x2  }
0x1f: {  	s3 =	simm.s32 $0x0;
	s14 =	sadd.s32 s14, s2;
	_ =	strace $0x80000047  }
0x20: {  	s16 =	sadd.s32 s26, s13;
	s26 =	smax.u32 s0, $0x1;
	s28 =	sadd.s32 $0x2600, s6  }
0x21: {  	v0 =	vimm.f32 $0.0e+00;
	v1 =	vimm.f32 $1.000000000e+00;
	s29 =	sadd.s32 $0xC400, s6;
	s0 =	simm.s32 $0x100;
	s2 =	simm.s32 $0x6100  }
.LBB2_1:
0x22: {  	s4 =	simm.s32 $0x0;
	s5 =	simm.s32 $0x200  }
.LBB2_2:
0x23: {  	p0 =	sne.s32 s5, $0x7E00;
	[tilespmem:s4+$0x4170] =	vst v0  }
0x24: {  	[tilespmem:s4+$0x4100] =	vst v0  }
0x25: {  	[tilespmem:s4+$0x4110] =	vst v0  }
.Ltmp0:
0x26: {  	[tilespmem:s4+$0x4120] =	vst v0;
	(pc) =	sbr.rel @p0 .LBB2_2-.Ltmp0, $4  }
0x27: {  	[tilespmem:s4+$0x4130] =	vst v0  }
0x28: {  	[tilespmem:s4+$0x4140] =	vst v0  }
0x29: {  	[tilespmem:s4+$0x4150] =	vst v0  }
0x2a: {  	[tilespmem:s4+$0x4160] =	vst v0;
	s4 =	sshra.s32 s5, $0x2;
	s5 =	sadd.s32 $0x200, s5  }
0x2b: {  	[tilespmem:s4+$0x4170] =	vst v0  }
0x2c: {  	[tilespmem:s4+$0x4100] =	vst v0  }
0x2d: {  	[tilespmem:s4+$0x4110] =	vst v0  }
0x2e: {  	[tilespmem:s4+$0x4120] =	vst v0  }
0x2f: {  	[tilespmem:s4+$0x4130] =	vst v0  }
0x30: {  	[tilespmem:s4+$0x4140] =	vst v0  }
0x31: {  	[tilespmem:s4+$0x4150] =	vst v0  }
0x32: {  	[tilespmem:s4+$0x4160] =	vst v0;
	s4 =	simm.s32 $0x40;
	s5 =	simm.s32 $0x0  }
.LBB2_4:
0x33: {  	p0 =	sne.s32 s4, $0x9FC0;
	[tilespmem:s5+$0x6100] =	vst v0;
	s5 =	smov.u32 s4;
	s4 =	sadd.s32 $0x40, s4  }
.Ltmp1:
0x34: {  	(pc) =	sbr.rel @p0 .LBB2_4-.Ltmp1, $2  }
0x35: {  	_ =	sdelay $0x2  }
0x36: {  	s5 =	sshra.s32 s5, $0x2  }
0x37: {  	[tilespmem:s5+$0x6100] =	vst v0  }
0x38: {  	[spmem:s16] =	stream.linear.scatter [tilespmem:s30], [sflag:$0x2], $0x2000, $0x38;
	[tilespmem:$0x1C900] =	vst v63  }
0x39: {  	_ =	swait.ge [sflag:s31], $0x2000  }
0x3a: {  	[sflag:s31] =	ssyncset.done $0x0  }
0x3b: {  	[sflag:s31] =	ssyncadd.s32 $0xFFFFE000  }
0x3c: {  	[spmem:s17] =	stream.linear.scatter [tilespmem:s30], [sflag:$0x2], $0x2000, $0x38;
	[tilespmem:$0x1C900] =	vst v63  }
0x3d: {  	_ =	swait.ge [sflag:s31], $0x2000  }
0x3e: {  	[sflag:s31] =	ssyncset.done $0x0  }
0x3f: {  	[sflag:s31] =	ssyncadd.s32 $0xFFFFE000  }
0x40: {  	[spmem:s18] =	stream.linear.scatter [tilespmem:s30], [sflag:$0x2], $0x2000, $0x38;
	[tilespmem:$0x1C900] =	vst v63  }
0x41: {  	_ =	swait.ge [sflag:s31], $0x2000  }
0x42: {  	[sflag:s31] =	ssyncset.done $0x0  }
0x43: {  	[sflag:s31] =	ssyncadd.s32 $0xFFFFE000  }
0x44: {  	[spmem:s19] =	stream.linear.scatter [tilespmem:s30], [sflag:$0x2], $0x2000, $0x38;
	[tilespmem:$0x1C900] =	vst v63  }
0x45: {  	_ =	swait.ge [sflag:s31], $0x2000  }
0x46: {  	[sflag:s31] =	ssyncset.done $0x0  }
0x47: {  	[sflag:s31] =	ssyncadd.s32 $0xFFFFE000  }
0x48: {  	[spmem:s20] =	stream.linear.scatter [tilespmem:s30], [sflag:$0x2], $0x2000, $0x38;
	[tilespmem:$0x1C900] =	vst v63  }
0x49: {  	_ =	swait.ge [sflag:s31], $0x2000  }
0x4a: {  	[sflag:s31] =	ssyncset.done $0x0  }
0x4b: {  	[sflag:s31] =	ssyncadd.s32 $0xFFFFE000  }
0x4c: {  	[spmem:s21] =	stream.linear.scatter [tilespmem:s30], [sflag:$0x2], $0x2000, $0x38;
	[tilespmem:$0x1C900] =	vst v63  }
0x4d: {  	_ =	swait.ge [sflag:s31], $0x2000  }
0x4e: {  	[sflag:s31] =	ssyncset.done $0x0  }
0x4f: {  	[sflag:s31] =	ssyncadd.s32 $0xFFFFE000  }
0x50: {  	[spmem:s22] =	stream.linear.scatter [tilespmem:s30], [sflag:$0x2], $0x2000, $0x38;
	[tilespmem:$0x1C900] =	vst v63  }
0x51: {  	_ =	swait.ge [sflag:s31], $0x2000  }
0x52: {  	[sflag:s31] =	ssyncset.done $0x0  }
0x53: {  	[sflag:s31] =	ssyncadd.s32 $0xFFFFE000  }
0x54: {  	[spmem:s23] =	stream.linear.scatter [tilespmem:s30], [sflag:$0x2], $0x2000, $0x38;
	[tilespmem:$0x1C900] =	vst v63  }
0x55: {  	_ =	swait.ge [sflag:s31], $0x2000  }
0x56: {  	[sflag:s31] =	ssyncset.done $0x0  }
0x57: {  	[sflag:s31] =	ssyncadd.s32 $0xFFFFE000  }
0x58: {  	[spmem:s24] =	stream.linear.scatter [tilespmem:s30], [sflag:$0x2], $0x2000, $0x38;
	[tilespmem:$0x1C900] =	vst v63  }
0x59: {  	_ =	swait.ge [sflag:s31], $0x2000  }
0x5a: {  	[sflag:s31] =	ssyncset.done $0x0  }
0x5b: {  	[sflag:s31] =	ssyncadd.s32 $0xFFFFE000  }
0x5c: {  	[spmem:s25] =	stream.linear.scatter [tilespmem:s30], [sflag:$0x2], $0x2000, $0x38;
	[tilespmem:$0x1C900] =	vst v63  }
0x5d: {  	_ =	swait.ge [sflag:s31], $0x2000  }
0x5e: {  	[sflag:s31] =	ssyncset.done $0x0  }
0x5f: {  	[sflag:s31] =	ssyncadd.s32 $0xFFFFE000  }
0x60: {  	s4 =	simm.s32 $0x0;
	[bflag:$0x0] =	sbarrier.arrive $0xFFFF  }
.LBB2_6:
0x61: {  	s5 =	sadd.s32 s4, s29  }
0x62: {  	[tilespmem:s11], [sflag:$0x2] =	stream.linear.gather [hbm4b:s5+s11], $0x80, $0x38;
	[tilespmem:$0x1C900] =	vst v63  }
0x63: {  	_ =	swait.ge [sflag:s31], $0x80  }
0x64: {  	[sflag:s31] =	ssyncset.done $0x0  }
0x65: {  	s6 =	sadd.s32 s4, s28;
	[sflag:s31] =	ssyncadd.s32 $0xFFFFFF80  }
0x66: {  	[tilespmem:s12], [sflag:$0x2] =	stream.linear.gather [hbm4b:s6+s11], $0x80, $0x38;
	[tilespmem:$0x1C900] =	vst v63  }
0x67: {  	_ =	swait.ge [sflag:s31], $0x80  }
0x68: {  	[sflag:s31] =	ssyncset.done $0x0  }
0x69: {  	[sflag:s31] =	ssyncadd.s32 $0xFFFFFF80  }
0x6a: {  	[tilespmem:s0], [sflag:$0x1] =	stream.indirect.gather [hbm4b:s15+s12], $0x80, s11, s12, $0xb8;
	[tilespmem:$0x1C900] =	vst v63  }
0x6b: {  	_ =	swait.ge [sflag:s1], $0x4000  }
0x6c: {  	[sflag:s1] =	ssyncset.done $0x0  }
0x6d: {  	[sflag:s1] =	ssyncadd.s32 $0xFFFFC000  }
0x6e: {  	[spmem:s13] =	stream.indirect.scatter.add.f32 [tilespmem:s0], [sflag:$0x2], $0x80, s12, s12, $0xb8;
	[tilespmem:$0x1C900] =	vst v63  }
0x6f: {  	_ =	swait.ge [sflag:s31], $0x4000  }
0x70: {  	[sflag:s31] =	ssyncset.done $0x0  }
0x71: {  	[sflag:s31] =	ssyncadd.s32 $0xFFFFC000  }
0x72: {  	v2 =	vld [tilespmem:$0x80];
	_ =	sdelay $0x7  }
0x73: {  	[tilespmem:v2+s2+$0x0] =	vst.idx.add.f32.msk $0xffff, v1  }
0x74: {  	v2 =	vld [tilespmem:$0x90];
	_ =	sdelay $0x7  }
0x75: {  	[tilespmem:v2+s2+$0x0] =	vst.idx.add.f32.msk $0xffff, v1  }
0x76: {  	v2 =	vld [tilespmem:$0xA0];
	_ =	sdelay $0x7  }
0x77: {  	[tilespmem:v2+s2+$0x0] =	vst.idx.add.f32.msk $0xffff, v1  }
0x78: {  	v2 =	vld [tilespmem:$0xB0];
	_ =	sdelay $0x7  }
0x79: {  	[tilespmem:v2+s2+$0x0] =	vst.idx.add.f32.msk $0xffff, v1  }
0x7a: {  	v2 =	vld [tilespmem:$0xC0];
	_ =	sdelay $0x7  }
0x7b: {  	[tilespmem:v2+s2+$0x0] =	vst.idx.add.f32.msk $0xffff, v1  }
0x7c: {  	v2 =	vld [tilespmem:$0xD0];
	_ =	sdelay $0x7  }
0x7d: {  	[tilespmem:v2+s2+$0x0] =	vst.idx.add.f32.msk $0xffff, v1  }
0x7e: {  	v2 =	vld [tilespmem:$0xE0];
	_ =	sdelay $0x7  }
0x7f: {  	[tilespmem:v2+s2+$0x0] =	vst.idx.add.f32.msk $0xffff, v1  }
0x80: {  	v2 =	vld [tilespmem:$0xF0];
	_ =	sdelay $0x2  }
0x81: {  	p0 =	sne.s32 s4, $0x4E0  }
.Ltmp2:
0x82: {  	_ = 	snop;
	(pc) =	sbr.rel @p0 .LBB2_6-.Ltmp2, $2  }
0x83: {  	_ =	sdelay $0x2  }
0x84: {  	s4 =	sadd.s32 $0x10, s4;
	[tilespmem:v2+s2+$0x0] =	vst.idx.add.f32.msk $0xffff, v1  }
0x85: {  	s4 =	stileid.u32  }
0x86: {  	[bflag:$0x0] =	sbarrier.arrive $0xFFFF;
	s4 =	sshll.u32 s4, $0x6  }
0x87: {  	s5 =	sshrl.u32 s16, $0x3;
	s6 =	rddreg [dreg:$0x4];
	s4 =	sor.u32 $0x1C02, s4  }
0x88: {  	[hbm:s6], [sflag:s4] =	dma.local [spmem:s5], $0x400  }
0x89: {  	_ =	swait.ge [sflag:s31], $0x400  }
0x8a: {  	[sflag:s31] =	ssyncset.done $0x0  }
0x8b: {  	s5 =	sshrl.u32 s17, $0x3;
	s6 =	rddreg [dreg:$0x5];
	[sflag:s31] =	ssyncadd.s32 $0xFFFFFC00  }
0x8c: {  	[hbm:s6], [sflag:s4] =	dma.local [spmem:s5], $0x400  }
0x8d: {  	_ =	swait.ge [sflag:s31], $0x400  }
0x8e: {  	[sflag:s31] =	ssyncset.done $0x0  }
0x8f: {  	s5 =	sshrl.u32 s18, $0x3;
	s6 =	rddreg [dreg:$0x6];
	[sflag:s31] =	ssyncadd.s32 $0xFFFFFC00  }
0x90: {  	[hbm:s6], [sflag:s4] =	dma.local [spmem:s5], $0x400  }
0x91: {  	_ =	swait.ge [sflag:s31], $0x400  }
0x92: {  	[sflag:s31] =	ssyncset.done $0x0  }
0x93: {  	s5 =	sshrl.u32 s19, $0x3;
	s6 =	rddreg [dreg:$0x7];
	[sflag:s31] =	ssyncadd.s32 $0xFFFFFC00  }
0x94: {  	[hbm:s6], [sflag:s4] =	dma.local [spmem:s5], $0x400  }
0x95: {  	_ =	swait.ge [sflag:s31], $0x400  }
0x96: {  	[sflag:s31] =	ssyncset.done $0x0  }
0x97: {  	s5 =	sshrl.u32 s20, $0x3;
	s6 =	rddreg [dreg:$0x8];
	[sflag:s31] =	ssyncadd.s32 $0xFFFFFC00  }
0x98: {  	[hbm:s6], [sflag:s4] =	dma.local [spmem:s5], $0x400  }
0x99: {  	_ =	swait.ge [sflag:s31], $0x400  }
0x9a: {  	[sflag:s31] =	ssyncset.done $0x0  }
0x9b: {  	s5 =	sshrl.u32 s21, $0x3;
	s6 =	rddreg [dreg:$0x9];
	[sflag:s31] =	ssyncadd.s32 $0xFFFFFC00  }
0x9c: {  	[hbm:s6], [sflag:s4] =	dma.local [spmem:s5], $0x400  }
0x9d: {  	_ =	swait.ge [sflag:s31], $0x400  }
0x9e: {  	[sflag:s31] =	ssyncset.done $0x0  }
0x9f: {  	s6 =	sshrl.u32 s22, $0x3;
	[sflag:s31] =	ssyncadd.s32 $0xFFFFFC00  }
0xa0: {  	[hbm:s7], [sflag:s4] =	dma.local [spmem:s6], $0x400  }
0xa1: {  	_ =	swait.ge [sflag:s31], $0x400  }
0xa2: {  	[sflag:s31] =	ssyncset.done $0x0  }
0xa3: {  	s6 =	sshrl.u32 s23, $0x3;
	[sflag:s31] =	ssyncadd.s32 $0xFFFFFC00  }
0xa4: {  	[hbm:s8], [sflag:s4] =	dma.local [spmem:s6], $0x400  }
0xa5: {  	_ =	swait.ge [sflag:s31], $0x400  }
0xa6: {  	[sflag:s31] =	ssyncset.done $0x0  }
0xa7: {  	s6 =	sshrl.u32 s24, $0x3;
	[sflag:s31] =	ssyncadd.s32 $0xFFFFFC00  }
0xa8: {  	[hbm:s9], [sflag:s4] =	dma.local [spmem:s6], $0x400  }
0xa9: {  	_ =	swait.ge [sflag:s31], $0x400  }
0xaa: {  	[sflag:s31] =	ssyncset.done $0x0  }
0xab: {  	s6 =	sshrl.u32 s25, $0x3;
	[sflag:s31] =	ssyncadd.s32 $0xFFFFFC00  }
0xac: {  	[hbm:s10], [sflag:s4] =	dma.local [spmem:s6], $0x400  }
0xad: {  	s3 =	sadd.s32 $0x1, s3;
	_ =	swait.ge [sflag:s31], $0x400  }
0xae: {  	p0 =	sne.s32 s3, s26;
	[sflag:s31] =	ssyncset.done $0x0  }
.Ltmp3:
0xaf: {  	s6 =	simm.s32 $0x400;
	[sflag:s31] =	ssyncadd.s32 $0xFFFFFC00;
	(pc) =	sbr.rel @p0 .LBB2_1-.Ltmp3, $4  }
0xb0: {  	[hbm4b:s14+s12] =	stream.strided.scatter [tilespmem:s2], [sflag:$0x2], $0x2800, s6, s12, $0x38;
	[tilespmem:$0x1C900] =	vst v63  }
0xb1: {  	_ =	swait.ge [sflag:s31], $0x2800  }
0xb2: {  	[sflag:s31] =	ssyncset.done $0x0  }
0xb3: {  	[sflag:s31] =	ssyncadd.s32 $0xFFFFD800  }
0xb4: {  	_ =	sfence.sel $0x180000  }
0xb5: {  	[bflag:$0x0] =	sbarrier.arrive $0xFFFF  }
0xb6: {  	_ =	strace $0x90000047  }
0xb7: {  	s0 =	stileid.u32;
	[bflag:$0x2] =	sbarrier.arrive $0xFFFF  }
0xb8: {  	p0 =	sne.s32 s0, $0x0;
	s0 =	rddreg [dreg:$0x3]  }
0xb9: {  	s0 =	sadd.s32 @!p0 $0x100000, s0  }
0xba: {  	[sflag:s0] =	ssyncadd.tile.s32 @!p0 $0x1;
	_ =	shalt  }
.Lfunc_end2:
_tile_overlayer_lowered:
.L_overlay_start_2:
0xbb: {  	(tag) =	ssettag $0x2  }
0xbc: {  	s0 =	rddreg [dreg:$0x0];
	s2 =	stileid.u32  }
0xbd: {  	s1 =	rddreg [dreg:$0x1];
	p0 =	sne.s32 s2, $0x0  }
0xbe: {  	s3 =	rddreg [dreg:$0x2];
	[bflag:$0x3] =	sbarrier.arrive $0xFFFF;
	s2 =	simm.s32 @!p0 $0x1C02  }
0xbf: {  	[timem:s3], [sflag:s2] =	dma.local @!p0 [hbm:s0], s1  }
0xc0: {  	s0 =	simm.s32 @!p0 $0x2  }
0xc1: {  	_ =	swait.ge @!p0 [sflag:s0], s1  }
0xc2: {  	s1 =	ssub.s32 @!p0 $0x0, s1;
	[sflag:s0] =	ssyncset.done @!p0 $0x0  }
0xc3: {  	[sflag:s0] =	ssyncadd.s32 @!p0 s1  }
0xc4: {  	[bflag:$0x3] =	sbarrier.arrive $0xFFFF  }
0xc5: {  	_ =	shalt  }

// kernel: kernel.9.cloned.1.call-start
scs
__scs_entry_jumppad:
0x0: {  	(pc) =	sbr.rel $0x88, $3  }
0x1: {  	(tag) =	ssettag $0x0;
	lr =	simm.s32 $0x1  }
0x2: {  	[smem:$0x3F99] =	sst lr;
	_ =	strace $0xD0000000  }
0x3: {  	_ = 	snop  }
0x4: {  	_ = 	snop  }
0x5: {  	_ = 	snop  }
0x6: {  	_ = 	snop  }
0x7: {  	_ = 	snop  }
__scs_overlays_trampoline_lowered:
0x8: {  	[smem:$0x3FA8] =	sst s0  }
0x9: {  	[smem:$0x3FA9] =	sst s1  }
0xa: {  	[smem:$0x3FAA] =	sst s2  }
0xb: {  	[smem:$0x3FAB] =	sst s3  }
0xc: {  	[smem:$0x3FAC] =	sst s4  }
0xd: {  	[smem:$0x3FAD] =	sst s5  }
0xe: {  	[smem:$0x3FAE] =	sst s6  }
0xf: {  	[smem:$0x3FAF] =	sst s7  }
0x10: {  	[smem:$0x3FB0] =	sst s8  }
0x11: {  	[smem:$0x3FB1] =	sst s9;
	s0 =	simm.s32 @!p0 $0x0  }
0x12: {  	s1 =	sld [smem:$0x3F97];
	s0 =	simm.s32 @p0 $0x1  }
0x13: {  	[smem:$0x3FB2] =	sst s0;
	s0 =	simm.s32 @!p1 $0x0  }
0x14: {  	s2 =	sld [smem:$0x3F96];
	s0 =	simm.s32 @p1 $0x1  }
0x15: {  	[smem:$0x3FB3] =	sst s0;
	s0 =	simm.s32 @!p2 $0x0  }
0x16: {  	s3 =	sld [smem:$0x3FDB];
	s0 =	simm.s32 @p2 $0x1  }
0x17: {  	s4 =	simm.s32 $0x1BF5;
	[smem:$0x3FB5] =	sst s0  }
0x18: {  	s0 =	sld [smem:$0x3F98];
	_ =	swait.ge [sflag:s4], $0x0  }
0x19: {  	s7 =	sld [smem:$0x3F99]  }
0x1a: {  	s8 =	sadd.s32 $0xFFFFE003, lr  }
0x1b: {  	s9 =	sadd.s32 $0xFFFFFEF7, lr;
	s5 =	simm.s32 $0xFFFFFFFF;
	p2 =	slt.u32 s8, $0xFFFFF086  }
0x1c: {  	p1 =	slt.u32 s9, $0xF7A;
	s5 =	simm.s32 @!p2 $0x0  }
0x1d: {  	s5 =	simm.s32 @p1 $0x1;
	p0 =	seq.s32 s7, s2  }
0x1e: {  	s7 =	smul.u32 @!p0 $0xF7A, s2;
	p2 =	seq.s32 @!p0 s5, $0x0  }
0x1f: {  	s9 =	smul.u32 $0xF7A, s1;
	s8 =	simm.s32 @!p0 $0x1BF5;
	p2 =	por !p2, p0  }
0x20: {  	[sflag:s8] =	ssyncset.s32 @!p0 $0xFFFFF086;
	s6 =	sadd.s32 @!p0 s3, s7;
	s7 =	simm.s32 @!p0 $0x108  }
0x21: {  	s3 =	sadd.s32 s3, s9;
	s6 =	sadd.s32 @!p0 $0x88, s6;
	s7 =	simm.s32 @p2 $0x1082  }
0x22: {  	[simem:s7], [sflag:s8] =	dma.local @!p0 [hbm:s6], $0xF7A  }
0x23: {  	s9 =	sor.u32 $0xD0000000, s2;
	s6 =	simm.s32 $0x108;
	_ =	swait.ge @!p0 [sflag:s8], $0x0  }
0x24: {  	s3 =	sadd.s32 $0x88, s3;
	s6 =	simm.s32 @!p1 $0x1082;
	[sflag:s4] =	ssyncset.s32 $0xFFFFF086  }
0x25: {  	[simem:s6], [sflag:s4] =	dma.local [hbm:s3], $0xF7A  }
0x26: {  	[smem:$0x3F99] =	sst s1;
	(tag) =	ssettag s2;
	_ =	strace s9  }
0x27: {  	s1 =	sld [smem:$0x3FA9]  }
0x28: {  	s2 =	sld [smem:$0x3FAA]  }
0x29: {  	s4 =	sld [smem:$0x3FAC]  }
0x2a: {  	p0 =	seq.s32 s5, $0x0;
	s5 =	sld [smem:$0x3FAD]  }
0x2b: {  	s6 =	sld [smem:$0x3FAE]  }
0x2c: {  	s7 =	sld [smem:$0x3FAF]  }
0x2d: {  	s3 =	simm.s32 $0x108;
	s8 =	sld [smem:$0x3FB0]  }
0x2e: {  	s3 =	simm.s32 @!p0 $0x1082;
	s9 =	sld [smem:$0x3FB1]  }
0x2f: {  	lr =	sadd.s32 s0, s3;
	s0 =	sld [smem:$0x3FA8]  }
0x30: {  	s3 =	sld [smem:$0x3FAB]  }
0x31: {  	[smem:$0x3FB4] =	sst s10  }
0x32: {  	s10 =	sld [smem:$0x3FB2];
	_ =	sdelay $0x3  }
0x33: {  	p0 =	seq.s32 s10, $0x1;
	s10 =	sld [smem:$0x3FB4];
	_ =	sdelay $0x3  }
0x34: {  	[smem:$0x3FB4] =	sst s10  }
0x35: {  	s10 =	sld [smem:$0x3FB3];
	_ =	sdelay $0x3  }
0x36: {  	p1 =	seq.s32 s10, $0x1;
	s10 =	sld [smem:$0x3FB4];
	_ =	sdelay $0x3  }
0x37: {  	[smem:$0x3FB4] =	sst s10  }
0x38: {  	s10 =	sld [smem:$0x3FB5]  }
0x39: {  	_ = 	snop;
	(pc) =	sbr.ind lr, $3  }
0x3a: {  	_ = 	snop  }
0x3b: {  	_ = 	snop  }
0x3c: {  	p2 =	seq.s32 s10, $0x1;
	s10 =	sld [smem:$0x3FB4]  }
0x3d: {  	_ =	shalt  }
0x3e: {  	_ =	shalt  }
0x3f: {  	_ =	shalt  }
0x40: {  	_ =	shalt  }
0x41: {  	_ =	shalt  }
0x42: {  	_ =	shalt  }
0x43: {  	_ =	shalt  }
0x44: {  	_ =	shalt  }
0x45: {  	_ =	shalt  }
0x46: {  	_ =	shalt  }
0x47: {  	_ =	shalt  }
0x48: {  	_ =	shalt  }
0x49: {  	_ =	shalt  }
0x4a: {  	_ =	shalt  }
0x4b: {  	_ =	shalt  }
0x4c: {  	_ =	shalt  }
0x4d: {  	_ =	shalt  }
0x4e: {  	_ =	shalt  }
0x4f: {  	_ =	shalt  }
0x50: {  	_ =	shalt  }
0x51: {  	_ =	shalt  }
0x52: {  	_ =	shalt  }
0x53: {  	_ =	shalt  }
0x54: {  	_ =	shalt  }
0x55: {  	_ =	shalt  }
0x56: {  	_ =	shalt  }
0x57: {  	_ =	shalt  }
0x58: {  	_ =	shalt  }
0x59: {  	_ =	shalt  }
0x5a: {  	_ =	shalt  }
0x5b: {  	_ =	shalt  }
0x5c: {  	_ =	shalt  }
0x5d: {  	_ =	shalt  }
0x5e: {  	_ =	shalt  }
0x5f: {  	_ =	shalt  }
0x60: {  	_ =	shalt  }
0x61: {  	_ =	shalt  }
0x62: {  	_ =	shalt  }
0x63: {  	_ =	shalt  }
0x64: {  	_ =	shalt  }
0x65: {  	_ =	shalt  }
0x66: {  	_ =	shalt  }
0x67: {  	_ =	shalt  }
0x68: {  	_ =	shalt  }
0x69: {  	_ =	shalt  }
0x6a: {  	_ =	shalt  }
0x6b: {  	_ =	shalt  }
0x6c: {  	_ =	shalt  }
0x6d: {  	_ =	shalt  }
0x6e: {  	_ =	shalt  }
0x6f: {  	_ =	shalt  }
0x70: {  	_ =	shalt  }
0x71: {  	_ =	shalt  }
0x72: {  	_ =	shalt  }
0x73: {  	_ =	shalt  }
0x74: {  	_ =	shalt  }
0x75: {  	_ =	shalt  }
0x76: {  	_ =	shalt  }
0x77: {  	_ =	shalt  }
0x78: {  	_ =	shalt  }
0x79: {  	_ =	shalt  }
0x7a: {  	_ =	shalt  }
0x7b: {  	_ =	shalt  }
0x7c: {  	_ =	shalt  }
0x7d: {  	_ =	shalt  }
0x7e: {  	_ =	shalt  }
0x7f: {  	_ =	shalt  }
0x80: {  	_ =	shalt  }
0x81: {  	_ =	shalt  }
0x82: {  	_ =	shalt  }
0x83: {  	_ =	shalt  }
0x84: {  	_ =	shalt  }
0x85: {  	_ =	shalt  }
0x86: {  	_ =	shalt  }
0x87: {  	_ =	shalt  }
.Lfunc_end0:
.L_simem_size_0:
called_computation.1_lowered:
.L_overlay_start_0:
0x88: {  	s2 =	sld [smem:$0x3FD9]  }
0x89: {  	s3 =	sld [smem:$0x3FFE];
	_ =	sdelay $0x1  }
0x8a: {  	s1 =	srdreg.scid  }
0x8b: {  	s0 =	sand.u32 $0x1, s1  }
0x8c: {  	s17 =	sshll.u32 s0, $0xA;
	s2 =	sadd.s32 s3, s2  }
0x8d: {  	s2 =	sadd.s32 s2, s17  }
0x8e: {  	[smem:$0x3FC0] =	sst s2  }
0x8f: {  	_ = 	snop  }
0x90: {  	s2 =	sld [smem:$0x3FD0];
	(tm) =	ssettm $0x1  }
0x91: {  	s18 =	sld [smem:$0x3FFB];
	_ =	sdelay $0x3  }
0x92: {  	_ =	strace s18  }
0x93: {  	s3 =	sld [smem:$0x3FFC];
	_ =	sdelay $0x3  }
0x94: {  	_ =	strace s3  }
0x95: {  	s3 =	sld [smem:$0x3FFD];
	_ =	sdelay $0x3  }
0x96: {  	_ =	strace s3  }
0x97: {  	_ =	strace $0x8FFFFFFF  }
0x98: {  	s19 =	sld [smem:$0x3FDB];
	_ =	sdelay $0x1  }
0x99: {  	s4 =	simm.s32 $_scs_section_size  }
0x9a: {  	s5 =	simm.s32 $_size__tile_overlayer_lowered;
	s6 =	simm.s32 $_tile_overlayer_lowered  }
0x9b: {  	s22 =	simm.s32 $0x1BFF;
	s21 =	sshll.u32 s6, $0x1;
	s3 =	sadd.s32 s4, s19  }
0x9c: {  	s7 =	simm.s32 $0x0;
	s20 =	sshll.u32 s5, $0x1;
	s5 =	sadd.s32 s21, s3  }
0x9d: {  	[timem:s7], [sflag:s22] =	dma.local [hbm:s5], s20  }
0x9e: {  	_ =	swait.ge [sflag:s22], s20  }
0x9f: {  	s4 =	ssub.s32 $0x0, s20;
	[sflag:s22] =	ssyncset.done $0x0  }
0xa0: {  	[sflag:s22] =	ssyncadd.s32 s4;
	_ =	sdelay $0x1  }
0xa1: {  	s23 =	simm.s32 $0x1B8B  }
0xa2: {  	_ =	swait.ge [sflag:s23], $0x1  }
0xa3: {  	[sflag:s23] =	ssyncset.done $0x0  }
0xa4: {  	s25 =	simm.s32 $0x1B8E;
	s24 =	sld [smem:$0x3FFE];
	[sflag:s23] =	ssyncadd.s32 $0xFFFFFFFF  }
0xa5: {  	s26 =	simm.s32 $execute0_lowered;
	[smem:$0x3FD2] =	sst s25  }
0xa6: {  	s5 =	sshll.u32 s26, $0x1;
	_ =	strace $0x80000049;
	[dreg:$0x1] =	wrdreg $0xFFFFFFFF  }
0xa7: {  	s28 =	simm.s32 $_size_execute0_lowered;
	s3 =	sadd.s32 s3, s5;
	[dreg:$0x0] =	wrdreg $0x0  }
0xa8: {  	s5 =	sshll.u32 s28, $0x1;
	[dreg:$0x2] =	wrdreg s3  }
0xa9: {  	[dreg:$0x3] =	wrdreg s5  }
0xaa: {  	[dreg:$0x4] =	wrdreg $0xC0  }
0xab: {  	_ =	task [dreg:s7], $0x5FFFF  }
0xac: {  	[dreg:$0x1] =	wrdreg $0xFFFFFFFF  }
0xad: {  	[dreg:$0x0] =	wrdreg $0x60  }
0xae: {  	[dreg:$0x2] =	wrdreg s24  }
0xaf: {  	[dreg:$0x3] =	wrdreg s2  }
0xb0: {  	[dreg:$0x4] =	wrdreg $0x89000  }
0xb1: {  	[dreg:$0x5] =	wrdreg $0x9  }
0xb2: {  	_ =	task.clear_ibuf [dreg:s7], $0x6FFFF;
	_ =	strace $0x90000049  }
0xb3: {  	s29 =	simm.s32 $0x9;
	_ =	strace $0x8000004B  }
0xb4: {  	_ =	swait.ge [sflag:s29], $0x1  }
0xb5: {  	[sflag:s29] =	ssyncadd.s32 $0xFFFFFFFF  }
0xb6: {  	_ =	strace $0x9000004B  }
0xb7: {  	_ =	sfence  }
0xb8: {  	s30 =	sld [smem:$0x0];
	_ =	sdelay $0x2  }
0xb9: {  	s31 =	sshll.u32 s1, $0xD;
	s1 =	sshrl.u32 s1, $0x2  }
0xba: {  	s3 =	sand.u32 $0x4000, s31;
	s1 =	sadd.s32 s1, s30  }
0xbb: {  	s0 =	sor.u32 s3, s0;
	s1 =	sshll.u32 s1, $0x11  }
0xbc: {  	s0 =	sor.u32 s1, s0  }
0xbd: {  	s0 =	sadd.s32 $0x8F2B, s0  }
0xbe: {  	[sflag:s0] =	ssyncadd.remote.s32 $0x1  }
0xbf: {  	_ =	sfence.sel $0xFFFF  }
0xc0: {  	[dreg:$0x0] =	wrdreg $0xFFFFFFFF;
	(pc) =	sbr.abs _section_cstart, $3  }
0xc1: {  	[dreg:$0x1] =	wrdreg $0xFFFFFFFF  }
0xc2: {  	_ =	task.clear_ibuf [dreg:s7], $0x2FFFF;
	_ =	strace $0x9FFFFFFF  }
0xc3: {  	(tm) =	ssettm $0x7FFFFFFF  }
tec
execute0_lowered:
.L_overlay_start_1:
0x0: {  	(tag) =	ssettag $0x1  }
0x1: {  	s0 =	srdreg.scid  }
0x2: {  	s15 =	stileid.u32;
	s1 =	rddreg [dreg:$0x0]  }
0x3: {  	s30 =	simm.s32 $0x4100;
	s2 =	sand.u32 $0x1, s0;
	s5 =	smul.u32 $0x14000, s15  }
0x4: {  	s31 =	simm.s32 $0x2;
	s10 =	sadd.s32 $0x3E200, s1;
	s3 =	smul.u32 $0x4F00, s2  }
0x5: {  	s0 =	ssub.s32 $0x2, s2;
	s16 =	sshll.u32 s2, $0x4;
	s2 =	smul.u32 $0x140000, s2  }
0x6: {  	s4 =	sshrl.u32 s0, $0x1;
	s12 =	sor.u32 $0x2000, s5;
	s18 =	sadd.s32 $0x4000, s5  }
0x7: {  	s19 =	sadd.s32 $0x6000, s5;
	s20 =	sadd.s32 $0x8000, s5;
	s21 =	sadd.s32 $0xA000, s5  }
0x8: {  	s22 =	sadd.s32 $0xC000, s5;
	s23 =	sadd.s32 $0xE000, s5;
	s24 =	sadd.s32 $0x10000, s5  }
0x9: {  	s0 =	ssub.s32 s0, s4;
	s4 =	sor.u32 s15, s16;
	s6 =	sadd.s32 s5, s2  }
0xa: {  	s7 =	sadd.s32 s2, s12;
	s5 =	sadd.s32 $0x12000, s5;
	s25 =	sadd.s32 s2, s18  }
0xb: {  	s26 =	sadd.s32 s2, s19;
	s8 =	sadd.s32 s2, s20;
	s14 =	sadd.s32 s2, s21  }
0xc: {  	s16 =	sadd.s32 s2, s22;
	s3 =	sadd.s32 s3, s1;
	s6 =	sshrl.u32 s6, $0x3  }
0xd: {  	s7 =	sshrl.u32 s7, $0x3;
	s9 =	sshrl.u32 s26, $0x3;
	s11 =	sshrl.u32 s8, $0x3  }
0xe: {  	s4 =	sshrl.u32 s4, $0x3;
	s26 =	smul.u32 $0x4F0, s15;
	s6 =	sadd.s32 s10, s6  }
0xf: {  	s17 =	sadd.s32 s10, s7;
	s13 =	sadd.s32 s10, s11;
	s7 =	sshrl.u32 s16, $0x3  }
0x10: {  	s4 =	smul.u32 $0x14000, s4;
	s11 =	sshll.u32 s15, $0x7;
	[dreg:$0x4] =	wrdreg s6  }
0x11: {  	s16 =	smul.u32 $0x50000, s15;
	s15 =	sadd.s32 $0x16200, s1;
	[dreg:$0x5] =	wrdreg s17  }
0x12: {  	s1 =	simm.s32 $0x1;
	s6 =	sshrl.u32 s25, $0x3;
	[dreg:$0x8] =	wrdreg s13  }
0x13: {  	s17 =	sadd.s32 s2, s23;
	s7 =	sadd.s32 s10, s7;
	s25 =	sand.u32 $0x380, s11  }
0x14: {  	s11 =	simm.s32 $0x0;
	s13 =	rddreg [dreg:$0x2];
	s6 =	sadd.s32 s10, s6  }
0x15: {  	s8 =	sshrl.u32 s17, $0x3;
	[smem:$0x7FF] =	sst s11;
	s17 =	sadd.s32 s12, s13  }
0x16: {  	s18 =	sadd.s32 s18, s13;
	s19 =	sadd.s32 s19, s13;
	s20 =	sadd.s32 s20, s13  }
0x17: {  	s21 =	sadd.s32 s21, s13;
	s22 =	sadd.s32 s22, s13;
	s23 =	sadd.s32 s23, s13  }
0x18: {  	s12 =	simm.s32 $0x80;
	[dreg:$0x6] =	wrdreg s6;
	s6 =	sadd.s32 s10, s9  }
0x19: {  	s8 =	sadd.s32 s10, s8;
	s9 =	sadd.s32 s2, s24;
	s2 =	sadd.s32 s2, s5  }
0x1a: {  	s24 =	sadd.s32 s24, s13;
	[dreg:$0x7] =	wrdreg s6;
	s6 =	sshrl.u32 s14, $0x3  }
0x1b: {  	s9 =	sshrl.u32 s9, $0x3;
	s2 =	sshrl.u32 s2, $0x3;
	s14 =	rddreg [dreg:$0x1]  }
0x1c: {  	s6 =	sadd.s32 s10, s6;
	s9 =	sadd.s32 s10, s9;
	s10 =	sadd.s32 s10, s2  }
0x1d: {  	s2 =	sor.u32 s25, s4;
	s25 =	sadd.s32 s5, s13;
	[dreg:$0x9] =	wrdreg s6  }
0x1e: {  	s2 =	sshrl.u32 s2, $0x3;
	s6 =	sadd.s32 s26, s3;
	s26 =	sshrl.u32 s16, $0x2  }
0x1f: {  	s3 =	simm.s32 $0x0;
	s14 =	sadd.s32 s14, s2;
	_ =	strace $0x8000004A  }
0x20: {  	s16 =	sadd.s32 s26, s13;
	s26 =	smax.u32 s0, $0x1;
	s28 =	sadd.s32 $0x2600, s6  }
0x21: {  	v0 =	vimm.f32 $0.0e+00;
	v1 =	vimm.f32 $1.000000000e+00;
	s29 =	sadd.s32 $0xC400, s6;
	s0 =	simm.s32 $0x100;
	s2 =	simm.s32 $0x6100  }
.LBB2_1:
0x22: {  	s4 =	simm.s32 $0x0;
	s5 =	simm.s32 $0x200  }
.LBB2_2:
0x23: {  	p0 =	sne.s32 s5, $0x7E00;
	[tilespmem:s4+$0x4170] =	vst v0  }
0x24: {  	[tilespmem:s4+$0x4100] =	vst v0  }
0x25: {  	[tilespmem:s4+$0x4110] =	vst v0  }
.Ltmp0:
0x26: {  	[tilespmem:s4+$0x4120] =	vst v0;
	(pc) =	sbr.rel @p0 .LBB2_2-.Ltmp0, $4  }
0x27: {  	[tilespmem:s4+$0x4130] =	vst v0  }
0x28: {  	[tilespmem:s4+$0x4140] =	vst v0  }
0x29: {  	[tilespmem:s4+$0x4150] =	vst v0  }
0x2a: {  	[tilespmem:s4+$0x4160] =	vst v0;
	s4 =	sshra.s32 s5, $0x2;
	s5 =	sadd.s32 $0x200, s5  }
0x2b: {  	[tilespmem:s4+$0x4170] =	vst v0  }
0x2c: {  	[tilespmem:s4+$0x4100] =	vst v0  }
0x2d: {  	[tilespmem:s4+$0x4110] =	vst v0  }
0x2e: {  	[tilespmem:s4+$0x4120] =	vst v0  }
0x2f: {  	[tilespmem:s4+$0x4130] =	vst v0  }
0x30: {  	[tilespmem:s4+$0x4140] =	vst v0  }
0x31: {  	[tilespmem:s4+$0x4150] =	vst v0  }
0x32: {  	[tilespmem:s4+$0x4160] =	vst v0;
	s4 =	simm.s32 $0x40;
	s5 =	simm.s32 $0x0  }
.LBB2_4:
0x33: {  	p0 =	sne.s32 s4, $0x9FC0;
	[tilespmem:s5+$0x6100] =	vst v0;
	s5 =	smov.u32 s4;
	s4 =	sadd.s32 $0x40, s4  }
.Ltmp1:
0x34: {  	(pc) =	sbr.rel @p0 .LBB2_4-.Ltmp1, $2  }
0x35: {  	_ =	sdelay $0x2  }
0x36: {  	s5 =	sshra.s32 s5, $0x2  }
0x37: {  	[tilespmem:s5+$0x6100] =	vst v0  }
0x38: {  	[spmem:s16] =	stream.linear.scatter [tilespmem:s30], [sflag:$0x2], $0x2000, $0x38;
	[tilespmem:$0x1C900] =	vst v63  }
0x39: {  	_ =	swait.ge [sflag:s31], $0x2000  }
0x3a: {  	[sflag:s31] =	ssyncset.done $0x0  }
0x3b: {  	[sflag:s31] =	ssyncadd.s32 $0xFFFFE000  }
0x3c: {  	[spmem:s17] =	stream.linear.scatter [tilespmem:s30], [sflag:$0x2], $0x2000, $0x38;
	[tilespmem:$0x1C900] =	vst v63  }
0x3d: {  	_ =	swait.ge [sflag:s31], $0x2000  }
0x3e: {  	[sflag:s31] =	ssyncset.done $0x0  }
0x3f: {  	[sflag:s31] =	ssyncadd.s32 $0xFFFFE000  }
0x40: {  	[spmem:s18] =	stream.linear.scatter [tilespmem:s30], [sflag:$0x2], $0x2000, $0x38;
	[tilespmem:$0x1C900] =	vst v63  }
0x41: {  	_ =	swait.ge [sflag:s31], $0x2000  }
0x42: {  	[sflag:s31] =	ssyncset.done $0x0  }
0x43: {  	[sflag:s31] =	ssyncadd.s32 $0xFFFFE000  }
0x44: {  	[spmem:s19] =	stream.linear.scatter [tilespmem:s30], [sflag:$0x2], $0x2000, $0x38;
	[tilespmem:$0x1C900] =	vst v63  }
0x45: {  	_ =	swait.ge [sflag:s31], $0x2000  }
0x46: {  	[sflag:s31] =	ssyncset.done $0x0  }
0x47: {  	[sflag:s31] =	ssyncadd.s32 $0xFFFFE000  }
0x48: {  	[spmem:s20] =	stream.linear.scatter [tilespmem:s30], [sflag:$0x2], $0x2000, $0x38;
	[tilespmem:$0x1C900] =	vst v63  }
0x49: {  	_ =	swait.ge [sflag:s31], $0x2000  }
0x4a: {  	[sflag:s31] =	ssyncset.done $0x0  }
0x4b: {  	[sflag:s31] =	ssyncadd.s32 $0xFFFFE000  }
0x4c: {  	[spmem:s21] =	stream.linear.scatter [tilespmem:s30], [sflag:$0x2], $0x2000, $0x38;
	[tilespmem:$0x1C900] =	vst v63  }
0x4d: {  	_ =	swait.ge [sflag:s31], $0x2000  }
0x4e: {  	[sflag:s31] =	ssyncset.done $0x0  }
0x4f: {  	[sflag:s31] =	ssyncadd.s32 $0xFFFFE000  }
0x50: {  	[spmem:s22] =	stream.linear.scatter [tilespmem:s30], [sflag:$0x2], $0x2000, $0x38;
	[tilespmem:$0x1C900] =	vst v63  }
0x51: {  	_ =	swait.ge [sflag:s31], $0x2000  }
0x52: {  	[sflag:s31] =	ssyncset.done $0x0  }
0x53: {  	[sflag:s31] =	ssyncadd.s32 $0xFFFFE000  }
0x54: {  	[spmem:s23] =	stream.linear.scatter [tilespmem:s30], [sflag:$0x2], $0x2000, $0x38;
	[tilespmem:$0x1C900] =	vst v63  }
0x55: {  	_ =	swait.ge [sflag:s31], $0x2000  }
0x56: {  	[sflag:s31] =	ssyncset.done $0x0  }
0x57: {  	[sflag:s31] =	ssyncadd.s32 $0xFFFFE000  }
0x58: {  	[spmem:s24] =	stream.linear.scatter [tilespmem:s30], [sflag:$0x2], $0x2000, $0x38;
	[tilespmem:$0x1C900] =	vst v63  }
0x59: {  	_ =	swait.ge [sflag:s31], $0x2000  }
0x5a: {  	[sflag:s31] =	ssyncset.done $0x0  }
0x5b: {  	[sflag:s31] =	ssyncadd.s32 $0xFFFFE000  }
0x5c: {  	[spmem:s25] =	stream.linear.scatter [tilespmem:s30], [sflag:$0x2], $0x2000, $0x38;
	[tilespmem:$0x1C900] =	vst v63  }
0x5d: {  	_ =	swait.ge [sflag:s31], $0x2000  }
0x5e: {  	[sflag:s31] =	ssyncset.done $0x0  }
0x5f: {  	[sflag:s31] =	ssyncadd.s32 $0xFFFFE000  }
0x60: {  	s4 =	simm.s32 $0x0;
	[bflag:$0x0] =	sbarrier.arrive $0xFFFF  }
.LBB2_6:
0x61: {  	s5 =	sadd.s32 s4, s29  }
0x62: {  	[tilespmem:s11], [sflag:$0x2] =	stream.linear.gather [hbm4b:s5+s11], $0x80, $0x38;
	[tilespmem:$0x1C900] =	vst v63  }
0x63: {  	_ =	swait.ge [sflag:s31], $0x80  }
0x64: {  	[sflag:s31] =	ssyncset.done $0x0  }
0x65: {  	s6 =	sadd.s32 s4, s28;
	[sflag:s31] =	ssyncadd.s32 $0xFFFFFF80  }
0x66: {  	[tilespmem:s12], [sflag:$0x2] =	stream.linear.gather [hbm4b:s6+s11], $0x80, $0x38;
	[tilespmem:$0x1C900] =	vst v63  }
0x67: {  	_ =	swait.ge [sflag:s31], $0x80  }
0x68: {  	[sflag:s31] =	ssyncset.done $0x0  }
0x69: {  	[sflag:s31] =	ssyncadd.s32 $0xFFFFFF80  }
0x6a: {  	[tilespmem:s0], [sflag:$0x1] =	stream.indirect.gather [hbm4b:s15+s12], $0x80, s11, s12, $0xb8;
	[tilespmem:$0x1C900] =	vst v63  }
0x6b: {  	_ =	swait.ge [sflag:s1], $0x4000  }
0x6c: {  	[sflag:s1] =	ssyncset.done $0x0  }
0x6d: {  	[sflag:s1] =	ssyncadd.s32 $0xFFFFC000  }
0x6e: {  	[spmem:s13] =	stream.indirect.scatter.add.f32 [tilespmem:s0], [sflag:$0x2], $0x80, s12, s12, $0xb8;
	[tilespmem:$0x1C900] =	vst v63  }
0x6f: {  	_ =	swait.ge [sflag:s31], $0x4000  }
0x70: {  	[sflag:s31] =	ssyncset.done $0x0  }
0x71: {  	[sflag:s31] =	ssyncadd.s32 $0xFFFFC000  }
0x72: {  	v2 =	vld [tilespmem:$0x80];
	_ =	sdelay $0x7  }
0x73: {  	[tilespmem:v2+s2+$0x0] =	vst.idx.add.f32.msk $0xffff, v1  }
0x74: {  	v2 =	vld [tilespmem:$0x90];
	_ =	sdelay $0x7  }
0x75: {  	[tilespmem:v2+s2+$0x0] =	vst.idx.add.f32.msk $0xffff, v1  }
0x76: {  	v2 =	vld [tilespmem:$0xA0];
	_ =	sdelay $0x7  }
0x77: {  	[tilespmem:v2+s2+$0x0] =	vst.idx.add.f32.msk $0xffff, v1  }
0x78: {  	v2 =	vld [tilespmem:$0xB0];
	_ =	sdelay $0x7  }
0x79: {  	[tilespmem:v2+s2+$0x0] =	vst.idx.add.f32.msk $0xffff, v1  }
0x7a: {  	v2 =	vld [tilespmem:$0xC0];
	_ =	sdelay $0x7  }
0x7b: {  	[tilespmem:v2+s2+$0x0] =	vst.idx.add.f32.msk $0xffff, v1  }
0x7c: {  	v2 =	vld [tilespmem:$0xD0];
	_ =	sdelay $0x7  }
0x7d: {  	[tilespmem:v2+s2+$0x0] =	vst.idx.add.f32.msk $0xffff, v1  }
0x7e: {  	v2 =	vld [tilespmem:$0xE0];
	_ =	sdelay $0x7  }
0x7f: {  	[tilespmem:v2+s2+$0x0] =	vst.idx.add.f32.msk $0xffff, v1  }
0x80: {  	v2 =	vld [tilespmem:$0xF0];
	_ =	sdelay $0x2  }
0x81: {  	p0 =	sne.s32 s4, $0x4E0  }
.Ltmp2:
0x82: {  	_ = 	snop;
	(pc) =	sbr.rel @p0 .LBB2_6-.Ltmp2, $2  }
0x83: {  	_ =	sdelay $0x2  }
0x84: {  	s4 =	sadd.s32 $0x10, s4;
	[tilespmem:v2+s2+$0x0] =	vst.idx.add.f32.msk $0xffff, v1  }
0x85: {  	s4 =	stileid.u32  }
0x86: {  	[bflag:$0x0] =	sbarrier.arrive $0xFFFF;
	s4 =	sshll.u32 s4, $0x6  }
0x87: {  	s5 =	sshrl.u32 s16, $0x3;
	s6 =	rddreg [dreg:$0x4];
	s4 =	sor.u32 $0x1C02, s4  }
0x88: {  	[hbm:s6], [sflag:s4] =	dma.local [spmem:s5], $0x400  }
0x89: {  	_ =	swait.ge [sflag:s31], $0x400  }
0x8a: {  	[sflag:s31] =	ssyncset.done $0x0  }
0x8b: {  	s5 =	sshrl.u32 s17, $0x3;
	s6 =	rddreg [dreg:$0x5];
	[sflag:s31] =	ssyncadd.s32 $0xFFFFFC00  }
0x8c: {  	[hbm:s6], [sflag:s4] =	dma.local [spmem:s5], $0x400  }
0x8d: {  	_ =	swait.ge [sflag:s31], $0x400  }
0x8e: {  	[sflag:s31] =	ssyncset.done $0x0  }
0x8f: {  	s5 =	sshrl.u32 s18, $0x3;
	s6 =	rddreg [dreg:$0x6];
	[sflag:s31] =	ssyncadd.s32 $0xFFFFFC00  }
0x90: {  	[hbm:s6], [sflag:s4] =	dma.local [spmem:s5], $0x400  }
0x91: {  	_ =	swait.ge [sflag:s31], $0x400  }
0x92: {  	[sflag:s31] =	ssyncset.done $0x0  }
0x93: {  	s5 =	sshrl.u32 s19, $0x3;
	s6 =	rddreg [dreg:$0x7];
	[sflag:s31] =	ssyncadd.s32 $0xFFFFFC00  }
0x94: {  	[hbm:s6], [sflag:s4] =	dma.local [spmem:s5], $0x400  }
0x95: {  	_ =	swait.ge [sflag:s31], $0x400  }
0x96: {  	[sflag:s31] =	ssyncset.done $0x0  }
0x97: {  	s5 =	sshrl.u32 s20, $0x3;
	s6 =	rddreg [dreg:$0x8];
	[sflag:s31] =	ssyncadd.s32 $0xFFFFFC00  }
0x98: {  	[hbm:s6], [sflag:s4] =	dma.local [spmem:s5], $0x400  }
0x99: {  	_ =	swait.ge [sflag:s31], $0x400  }
0x9a: {  	[sflag:s31] =	ssyncset.done $0x0  }
0x9b: {  	s5 =	sshrl.u32 s21, $0x3;
	s6 =	rddreg [dreg:$0x9];
	[sflag:s31] =	ssyncadd.s32 $0xFFFFFC00  }
0x9c: {  	[hbm:s6], [sflag:s4] =	dma.local [spmem:s5], $0x400  }
0x9d: {  	_ =	swait.ge [sflag:s31], $0x400  }
0x9e: {  	[sflag:s31] =	ssyncset.done $0x0  }
0x9f: {  	s6 =	sshrl.u32 s22, $0x3;
	[sflag:s31] =	ssyncadd.s32 $0xFFFFFC00  }
0xa0: {  	[hbm:s7], [sflag:s4] =	dma.local [spmem:s6], $0x400  }
0xa1: {  	_ =	swait.ge [sflag:s31], $0x400  }
0xa2: {  	[sflag:s31] =	ssyncset.done $0x0  }
0xa3: {  	s6 =	sshrl.u32 s23, $0x3;
	[sflag:s31] =	ssyncadd.s32 $0xFFFFFC00  }
0xa4: {  	[hbm:s8], [sflag:s4] =	dma.local [spmem:s6], $0x400  }
0xa5: {  	_ =	swait.ge [sflag:s31], $0x400  }
0xa6: {  	[sflag:s31] =	ssyncset.done $0x0  }
0xa7: {  	s6 =	sshrl.u32 s24, $0x3;
	[sflag:s31] =	ssyncadd.s32 $0xFFFFFC00  }
0xa8: {  	[hbm:s9], [sflag:s4] =	dma.local [spmem:s6], $0x400  }
0xa9: {  	_ =	swait.ge [sflag:s31], $0x400  }
0xaa: {  	[sflag:s31] =	ssyncset.done $0x0  }
0xab: {  	s6 =	sshrl.u32 s25, $0x3;
	[sflag:s31] =	ssyncadd.s32 $0xFFFFFC00  }
0xac: {  	[hbm:s10], [sflag:s4] =	dma.local [spmem:s6], $0x400  }
0xad: {  	s3 =	sadd.s32 $0x1, s3;
	_ =	swait.ge [sflag:s31], $0x400  }
0xae: {  	p0 =	sne.s32 s3, s26;
	[sflag:s31] =	ssyncset.done $0x0  }
.Ltmp3:
0xaf: {  	s6 =	simm.s32 $0x400;
	[sflag:s31] =	ssyncadd.s32 $0xFFFFFC00;
	(pc) =	sbr.rel @p0 .LBB2_1-.Ltmp3, $4  }
0xb0: {  	[hbm4b:s14+s12] =	stream.strided.scatter [tilespmem:s2], [sflag:$0x2], $0x2800, s6, s12, $0x38;
	[tilespmem:$0x1C900] =	vst v63  }
0xb1: {  	_ =	swait.ge [sflag:s31], $0x2800  }
0xb2: {  	[sflag:s31] =	ssyncset.done $0x0  }
0xb3: {  	[sflag:s31] =	ssyncadd.s32 $0xFFFFD800  }
0xb4: {  	_ =	sfence.sel $0x180000  }
0xb5: {  	[bflag:$0x0] =	sbarrier.arrive $0xFFFF  }
0xb6: {  	_ =	strace $0x9000004A  }
0xb7: {  	s0 =	stileid.u32;
	[bflag:$0x2] =	sbarrier.arrive $0xFFFF  }
0xb8: {  	p0 =	sne.s32 s0, $0x0;
	s0 =	rddreg [dreg:$0x3]  }
0xb9: {  	s0 =	sadd.s32 @!p0 $0x100000, s0  }
0xba: {  	[sflag:s0] =	ssyncadd.tile.s32 @!p0 $0x1;
	_ =	shalt  }
.Lfunc_end2:
_tile_overlayer_lowered:
.L_overlay_start_2:
0xbb: {  	(tag) =	ssettag $0x2  }
0xbc: {  	s0 =	rddreg [dreg:$0x0];
	s2 =	stileid.u32  }
0xbd: {  	s1 =	rddreg [dreg:$0x1];
	p0 =	sne.s32 s2, $0x0  }
0xbe: {  	s3 =	rddreg [dreg:$0x2];
	[bflag:$0x3] =	sbarrier.arrive $0xFFFF;
	s2 =	simm.s32 @!p0 $0x1C02  }
0xbf: {  	[timem:s3], [sflag:s2] =	dma.local @!p0 [hbm:s0], s1  }
0xc0: {  	s0 =	simm.s32 @!p0 $0x2  }
0xc1: {  	_ =	swait.ge @!p0 [sflag:s0], s1  }
0xc2: {  	s1 =	ssub.s32 @!p0 $0x0, s1;
	[sflag:s0] =	ssyncset.done @!p0 $0x0  }
0xc3: {  	[sflag:s0] =	ssyncadd.s32 @!p0 s1  }
0xc4: {  	[bflag:$0x3] =	sbarrier.arrive $0xFFFF  }
0xc5: {  	_ =	shalt  }

</sc_bundles>
